<compile_context>
chip_gen: v7x
topology: tpu7x:2x2x1
jax: 0.10.2.dev20260603
libtpu: 0.0.44.dev20260713+nightly
codegen_flags: <defaults>
</compile_context>

<pallas_src>
import jax
import jax.numpy as jnp
from jax import lax
from jax.experimental import pallas as pl
from jax.experimental.pallas import tpu as pltpu
from jax.experimental.pallas import tpu_sc as plsc

N = 10000
NP = 10240
E = 320000
D = 128
NC, NS = 2, 16
NW = NC * NS
EPW = E // NW
CHUNK = 125
NCH = EPW // CHUNK
RPS = NP // NS

_MESH = plsc.VectorSubcoreMesh(
    core_axis_name="c", subcore_axis_name="s", num_cores=NC, num_subcores=NS
)


def _sc_deg_body(dstr_hbm, zeros_hbm, out_hbm, dst_v, ones_v, acc, semz):
    cid = lax.axis_index("c")
    sid = lax.axis_index("s")
    wid = cid * NS + sid
    pltpu.async_copy(
        zeros_hbm.at[pl.ds(sid * RPS, RPS)], acc.at[pl.ds(sid * RPS, RPS)], semz
    )
    pltpu.sync_copy(dstr_hbm.at[wid], dst_v)

    one16 = jnp.ones((16,), jnp.float32)

    def obody(i, carry):
        for c in range(D // 16):
            ones_v[i, pl.ds(c * 16, 16)] = one16
        return carry

    lax.fori_loop(0, CHUNK, obody, 0)
    pltpu.make_async_copy(
        zeros_hbm.at[pl.ds(sid * RPS, RPS)], acc.at[pl.ds(sid * RPS, RPS)], semz
    ).wait()
    plsc.subcore_barrier()

    def body(j, carry):
        pltpu.sync_copy(ones_v, acc.at[dst_v.at[j]], add=True)
        return carry

    lax.fori_loop(0, NCH, body, 0)
    plsc.subcore_barrier()
    pltpu.sync_copy(
        acc.at[pl.ds(sid * RPS, RPS)], out_hbm.at[pl.ds(cid * NP + sid * RPS, RPS)]
    )


_sc_deg = pl.kernel(
    _sc_deg_body,
    out_type=jax.ShapeDtypeStruct((NC * NP, D), jnp.float32),
    mesh=_MESH,
    scratch_types=[
        pltpu.VMEM((NCH, CHUNK), jnp.int32),
        pltpu.VMEM((CHUNK, D), jnp.float32),
        pltpu.VMEM_SHARED((NP, D), jnp.float32),
        pltpu.SemaphoreType.DMA,
    ],
)


def _sc_scatter_body(g_hbm, srcr_hbm, dstr_hbm, zeros_hbm, out_hbm,
                     src_v, dst_v, rows0, acc, semg):
    cid = lax.axis_index("c")
    sid = lax.axis_index("s")
    wid = cid * NS + sid
    pltpu.sync_copy(srcr_hbm.at[wid], src_v)
    pltpu.sync_copy(dstr_hbm.at[wid], dst_v)
    pltpu.async_copy(g_hbm.at[src_v.at[0]], rows0, semg)
    pltpu.sync_copy(zeros_hbm.at[pl.ds(sid * RPS, RPS)], acc.at[pl.ds(sid * RPS, RPS)])
    plsc.subcore_barrier()
    pltpu.make_async_copy(g_hbm.at[src_v.at[0]], rows0, semg).wait()
    pltpu.sync_copy(rows0, acc.at[dst_v.at[0]], add=True)

    def body(j, carry):
        pltpu.async_copy(g_hbm.at[src_v.at[j]], rows0, semg).wait()
        pltpu.sync_copy(rows0, acc.at[dst_v.at[j]], add=True)
        return carry

    lax.fori_loop(1, NCH, body, 0)

    plsc.subcore_barrier()
    pltpu.sync_copy(
        acc.at[pl.ds(sid * RPS, RPS)], out_hbm.at[pl.ds(cid * NP + sid * RPS, RPS)]
    )


_sc_scatter = pl.kernel(
    _sc_scatter_body,
    out_type=jax.ShapeDtypeStruct((NC * NP, D), jnp.float32),
    mesh=_MESH,
    scratch_types=[
        pltpu.VMEM((NCH, CHUNK), jnp.int32),
        pltpu.VMEM((NCH, CHUNK), jnp.int32),
        pltpu.VMEM((CHUNK, D), jnp.float32),
        pltpu.VMEM_SHARED((NP, D), jnp.float32),
        pltpu.SemaphoreType.DMA,
    ],
)

_BR = 1024
_GRID = NP // _BR


def _tca_body(x_ref, w_ref, h_ref):
    h_ref[...] = jnp.dot(x_ref[...], w_ref[...], preferred_element_type=jnp.float32)


_tca = pl.pallas_call(
    _tca_body,
    grid=(_GRID,),
    in_specs=[
        pl.BlockSpec((_BR, D), lambda i: (i, 0)),
        pl.BlockSpec((D, D), lambda i: (0, 0)),
    ],
    out_specs=pl.BlockSpec((_BR, D), lambda i: (i, 0)),
    out_shape=jax.ShapeDtypeStruct((NP, D), jnp.float32),
)


def _tcb_body(h_ref, p0_ref, p1_ref, g_ref, dinv_ref):
    deg = p0_ref[:, :1] + p1_ref[:, :1] + 1.0
    dinv = lax.rsqrt(deg)
    g_ref[...] = h_ref[...] * dinv
    dinv_ref[...] = dinv


_tcb = pl.pallas_call(
    _tcb_body,
    grid=(_GRID,),
    in_specs=[
        pl.BlockSpec((_BR, D), lambda i: (i, 0)),
        pl.BlockSpec((_BR, D), lambda i: (i, 0)),
        pl.BlockSpec((_BR, D), lambda i: (i + _GRID, 0)),
    ],
    out_specs=[
        pl.BlockSpec((_BR, D), lambda i: (i, 0)),
        pl.BlockSpec((_BR, 1), lambda i: (i, 0)),
    ],
    out_shape=[
        jax.ShapeDtypeStruct((NP, D), jnp.float32),
        jax.ShapeDtypeStruct((NP, 1), jnp.float32),
    ],
)


def _tc2_body(s0_ref, s1_ref, h1_ref, dinv_ref, b1_ref, w2_ref, h2_ref, g2_ref):
    dv = dinv_ref[...]
    out1 = dv * (s0_ref[...] + s1_ref[...]) + (dv * dv) * h1_ref[...] + b1_ref[...]
    t = jnp.maximum(out1, 0.0)
    h2 = jnp.dot(t, w2_ref[...], preferred_element_type=jnp.float32)
    h2_ref[...] = h2
    g2_ref[...] = h2 * dv


_tc2 = pl.pallas_call(
    _tc2_body,
    grid=(_GRID,),
    in_specs=[
        pl.BlockSpec((_BR, D), lambda i: (i, 0)),
        pl.BlockSpec((_BR, D), lambda i: (i + _GRID, 0)),
        pl.BlockSpec((_BR, D), lambda i: (i, 0)),
        pl.BlockSpec((_BR, 1), lambda i: (i, 0)),
        pl.BlockSpec((1, D), lambda i: (0, 0)),
        pl.BlockSpec((D, D), lambda i: (0, 0)),
    ],
    out_specs=[
        pl.BlockSpec((_BR, D), lambda i: (i, 0)),
        pl.BlockSpec((_BR, D), lambda i: (i, 0)),
    ],
    out_shape=[
        jax.ShapeDtypeStruct((NP, D), jnp.float32),
        jax.ShapeDtypeStruct((NP, D), jnp.float32),
    ],
)


def _tc3_body(s0_ref, s1_ref, h2_ref, dinv_ref, b2_ref, out_ref):
    dv = dinv_ref[...]
    out_ref[...] = (
        dv * (s0_ref[...] + s1_ref[...]) + (dv * dv) * h2_ref[...] + b2_ref[...]
    )


_tc3 = pl.pallas_call(
    _tc3_body,
    grid=(_GRID,),
    in_specs=[
        pl.BlockSpec((_BR, D), lambda i: (i, 0)),
        pl.BlockSpec((_BR, D), lambda i: (i + _GRID, 0)),
        pl.BlockSpec((_BR, D), lambda i: (i, 0)),
        pl.BlockSpec((_BR, 1), lambda i: (i, 0)),
        pl.BlockSpec((1, D), lambda i: (0, 0)),
    ],
    out_specs=pl.BlockSpec((_BR, D), lambda i: (i, 0)),
    out_shape=jax.ShapeDtypeStruct((NP, D), jnp.float32),
)


def kernel(x, edge_index, W1, b1, W2, b2):
    ei = edge_index.astype(jnp.int32)
    srcr = ei[0].reshape(NW, NCH, CHUNK)
    dstr = ei[1].reshape(NW, NCH, CHUNK)
    xp = jnp.pad(x, ((0, NP - N), (0, 0)))
    zeros_nd = jnp.zeros((NP, D), jnp.float32)

    degp = _sc_deg(dstr, zeros_nd)
    h1 = _tca(xp, W1)
    g1, dinv = _tcb(h1, degp, degp)
    s1 = _sc_scatter(g1, srcr, dstr, zeros_nd)
    h2, g2 = _tc2(s1, s1, h1, dinv, b1.reshape(1, D), W2)
    s2 = _sc_scatter(g2, srcr, dstr, zeros_nd)
    out = _tc3(s2, s2, h2, dinv, b2.reshape(1, D))
    return out[:N]

# --- scband reference (transcript-rebuilt; emitter-appended) ---
"""Pipeline reference for scband-gcnencoder-36636071035639 (READ-ONLY COPY).

The authoritative reference and input builder live on the scoring server;
editing this copy changes nothing except your own understanding.
"""

import jax, jax.numpy as jnp
import numpy as np

N_NODES = 10000
N_EDGES = 320000
D_IN = 128
D_HID = 128
D_OUT = 128


def setup_inputs(seed: int = 0) -> dict:
    key = jax.random.key(seed)
    k1, k2, k3, k4, k5, k6 = jax.random.split(key, 6)
    x = jax.random.normal(k1, (N_NODES, D_IN), dtype=jnp.float32)
    edge_index = jax.random.randint(k2, (2, N_EDGES), 0, N_NODES, dtype=jnp.int64)
    # GCNConv weights (Glorot-ish scaling)
    W1 = jax.random.normal(k3, (D_IN, D_HID), dtype=jnp.float32) * (1.0 / np.sqrt(D_IN))
    b1 = jnp.zeros((D_HID,), dtype=jnp.float32)
    W2 = jax.random.normal(k4, (D_HID, D_OUT), dtype=jnp.float32) * (1.0 / np.sqrt(D_HID))
    b2 = jnp.zeros((D_OUT,), dtype=jnp.float32)
    return {"x": x, "edge_index": edge_index, "W1": W1, "b1": b1, "W2": W2, "b2": b2}


def _gcn_conv(x, src, dst, W, b, n_nodes):
    # PyG GCNConv: add self-loops, symmetric D^{-1/2} (A+I) D^{-1/2} normalization
    h = x @ W
    loop = jnp.arange(n_nodes, dtype=src.dtype)
    src_sl = jnp.concatenate([src, loop])
    dst_sl = jnp.concatenate([dst, loop])
    ones = jnp.ones(src_sl.shape[0], dtype=h.dtype)
    deg = jax.ops.segment_sum(ones, dst_sl, num_segments=n_nodes)
    deg_inv_sqrt = jnp.where(deg > 0, 1.0 / jnp.sqrt(deg), 0.0)
    norm = deg_inv_sqrt[src_sl] * deg_inv_sqrt[dst_sl]
    msg = h[src_sl] * norm[:, None]
    out = jax.ops.segment_sum(msg, dst_sl, num_segments=n_nodes)
    return out + b


def reference(x, edge_index, W1, b1, W2, b2):
    src = edge_index[0]
    dst = edge_index[1]
    n = x.shape[0]
    # layer 1
    h = _gcn_conv(x, src, dst, W1, b1, n)
    h = jax.nn.relu(h)
    # dropout p=0.0 (eval) -> no-op
    # layer 2 (final, no activation)
    out = _gcn_conv(h, src, dst, W2, b2, n)
    return out

if __name__ == "__main__":
    import jax
    _d = setup_inputs()
    print(jax.jit(kernel)(*tuple(_d.values())))

</pallas_src>

<mosaic_0001>
#map = affine_map<(d0, d1) -> (0, 0, 0)>
#map1 = affine_map<(d0, d1) -> (0, 0)>
module attributes {stable_mosaic.version = 14 : i64} {
  func.func @_sc_deg_body(%arg0: i32, %arg1: i32, %arg2: memref<32x80x125xi32, #tpu.memory_space<hbm>>, %arg3: memref<10240x128xf32, #tpu.memory_space<hbm>>, %arg4: memref<20480x128xf32, #tpu.memory_space<hbm>>, %arg5: memref<80x125xi32, #tpu.memory_space<vmem>>, %arg6: memref<125x128xf32, #tpu.memory_space<vmem>>, %arg7: memref<10240x128xf32, #tpu.memory_space<vmem_shared>>, %arg8: memref<!tpu.dma_semaphore, #tpu.memory_space<semaphore_mem>>) attributes {dimension_semantics = [#tpu.dimension_semantics<core_parallel>, #tpu.dimension_semantics<subcore_parallel>], iteration_bounds = array<i64: 2, 16>, scalar_prefetch = 0 : i64, scratch_operands = 4 : i64, tpu.core_type = #tpu.core_type<sc_vector_subcore>, window_params = [{transform_indices = #map}, {transform_indices = #map1}, {transform_indices = #map1}]} {
    %mul3A = arith.constant 16 : i32
    %mul3A_0 = arith.muli %arg0, %mul3A : i32
    %add3A = arith.addi %mul3A_0, %arg1 : i32
    %mul3A_1 = arith.constant 640 : i32
    %mul3A_2 = arith.muli %arg1, %mul3A_1 : i32
    %mul3A_3 = arith.constant 640 : i32
    %mul3A_4 = arith.muli %arg1, %mul3A_3 : i32
    %dma_start3A = arith.constant 0 : i32
    %dma_start3A_5 = tpu.memref_slice %arg7[%mul3A_4, %dma_start3A] : memref<10240x128xf32, #tpu.memory_space<vmem_shared>> -> memref<640x128xf32, #tpu.memory_space<vmem_shared>>
    %dma_start3A_6 = arith.constant 0 : i32
    %dma_start3A_7 = tpu.memref_slice %arg3[%mul3A_2, %dma_start3A_6] : memref<10240x128xf32, #tpu.memory_space<hbm>> -> memref<640x128xf32, #tpu.memory_space<hbm>>
    tpu.enqueue_dma source(%dma_start3A_7 : memref<640x128xf32, #tpu.memory_space<hbm>>) target(%dma_start3A_5 : memref<640x128xf32, #tpu.memory_space<vmem_shared>>) target_semaphore(%arg8 : memref<!tpu.dma_semaphore, #tpu.memory_space<semaphore_mem>>)
    "tpu.region"() ({
      %run_scoped3A = tpu.sem_alloc : memref<!tpu.dma_semaphore, #tpu.memory_space<semaphore_mem>>
      %dma_start3A_35 = arith.constant 0 : i32
      %dma_start3A_36 = arith.constant 0 : i32
      %dma_start3A_37 = tpu.memref_slice %arg2[%add3A, %dma_start3A_35, %dma_start3A_36] : memref<32x80x125xi32, #tpu.memory_space<hbm>> -> memref<1x80x125xi32, #tpu.memory_space<hbm>>
      %dma_start3A_38 = tpu.memref_squeeze %dma_start3A_37 : memref<1x80x125xi32, #tpu.memory_space<hbm>> -> memref<80x125xi32, #tpu.memory_space<hbm>>
      %dma_start3A_39 = arith.constant 0 : i32
      %dma_start3A_40 = arith.constant 0 : i32
      %dma_start3A_41 = tpu.memref_slice %arg2[%add3A, %dma_start3A_39, %dma_start3A_40] : memref<32x80x125xi32, #tpu.memory_space<hbm>> -> memref<1x80x125xi32, #tpu.memory_space<hbm>>
      %dma_start3A_42 = tpu.memref_squeeze %dma_start3A_41 : memref<1x80x125xi32, #tpu.memory_space<hbm>> -> memref<80x125xi32, #tpu.memory_space<hbm>>
      tpu.enqueue_dma source(%dma_start3A_42 : memref<80x125xi32, #tpu.memory_space<hbm>>) target(%arg5 : memref<80x125xi32, #tpu.memory_space<vmem>>) target_semaphore(%run_scoped3A : memref<!tpu.dma_semaphore, #tpu.memory_space<semaphore_mem>>)
      %dma_wait3A_43 = arith.constant 0 : i32
      %dma_wait3A_44 = arith.constant 0 : i32
      %dma_wait3A_45 = tpu.memref_slice %arg2[%add3A, %dma_wait3A_43, %dma_wait3A_44] : memref<32x80x125xi32, #tpu.memory_space<hbm>> -> memref<1x80x125xi32, #tpu.memory_space<hbm>>
      %dma_wait3A_46 = tpu.memref_squeeze %dma_wait3A_45 : memref<1x80x125xi32, #tpu.memory_space<hbm>> -> memref<80x125xi32, #tpu.memory_space<hbm>>
      %dma_wait3A_47 = arith.constant 0 : i32
      %dma_wait3A_48 = arith.constant 0 : i32
      %dma_wait3A_49 = tpu.memref_slice %arg2[%add3A, %dma_wait3A_47, %dma_wait3A_48] : memref<32x80x125xi32, #tpu.memory_space<hbm>> -> memref<1x80x125xi32, #tpu.memory_space<hbm>>
      %dma_wait3A_50 = tpu.memref_squeeze %dma_wait3A_49 : memref<1x80x125xi32, #tpu.memory_space<hbm>> -> memref<80x125xi32, #tpu.memory_space<hbm>>
      tpu.wait_dma2 semaphore(%run_scoped3A : memref<!tpu.dma_semaphore, #tpu.memory_space<semaphore_mem>>) src(%dma_wait3A_50 : memref<80x125xi32, #tpu.memory_space<hbm>>) dst(%arg5 : memref<80x125xi32, #tpu.memory_space<vmem>>)
      tpu.yield
    }) : () -> ()
    %broadcast_in_dim3A = arith.constant 1.000000e+00 : f32
    %broadcast_in_dim3A_8 = vector.broadcast %broadcast_in_dim3A : f32 to vector<16xf32>
    %scan3A = arith.constant 0 : i32
    %scan3A_9 = arith.constant 0 : i32
    %scan3A_10 = arith.constant 125 : i32
    %scan3A_11 = arith.addi %scan3A_9, %scan3A_10 : i32
    %scan3A_12 = arith.constant 1 : i32
    scf.for %scan3A_35 = %scan3A_9 to %scan3A_11 step %scan3A_12  : i32 {
      %swap3A = arith.index_cast %scan3A_35 : i32 to index
      %swap3A_36 = arith.constant 0 : index
      %swap3A_37 = tpu.vector_load %arg6[%swap3A, %swap3A_36] {strides = array<i32>} : memref<125x128xf32, #tpu.memory_space<vmem>>, vector<1x16xf32>,
      %swap3A_38 = vector.shape_cast %swap3A_37 : vector<1x16xf32> to vector<16xf32>
      %swap3A_39 = vector.shape_cast %broadcast_in_dim3A_8 : vector<16xf32> to vector<1x16xf32>
      tpu.vector_store %arg6[%swap3A, %swap3A_36], %swap3A_39 {strides = array<i32>} : memref<125x128xf32, #tpu.memory_space<vmem>>, vector<1x16xf32>,
      %swap3A_40 = arith.index_cast %scan3A_35 : i32 to index
      %swap3A_41 = arith.constant 16 : index
      %swap3A_42 = tpu.vector_load %arg6[%swap3A_40, %swap3A_41] {strides = array<i32>} : memref<125x128xf32, #tpu.memory_space<vmem>>, vector<1x16xf32>,
      %swap3A_43 = vector.shape_cast %swap3A_42 : vector<1x16xf32> to vector<16xf32>
      %swap3A_44 = vector.shape_cast %broadcast_in_dim3A_8 : vector<16xf32> to vector<1x16xf32>
      tpu.vector_store %arg6[%swap3A_40, %swap3A_41], %swap3A_44 {strides = array<i32>} : memref<125x128xf32, #tpu.memory_space<vmem>>, vector<1x16xf32>,
      %swap3A_45 = arith.index_cast %scan3A_35 : i32 to index
      %swap3A_46 = arith.constant 32 : index
      %swap3A_47 = tpu.vector_load %arg6[%swap3A_45, %swap3A_46] {strides = array<i32>} : memref<125x128xf32, #tpu.memory_space<vmem>>, vector<1x16xf32>,
      %swap3A_48 = vector.shape_cast %swap3A_47 : vector<1x16xf32> to vector<16xf32>
      %swap3A_49 = vector.shape_cast %broadcast_in_dim3A_8 : vector<16xf32> to vector<1x16xf32>
      tpu.vector_store %arg6[%swap3A_45, %swap3A_46], %swap3A_49 {strides = array<i32>} : memref<125x128xf32, #tpu.memory_space<vmem>>, vector<1x16xf32>,
      %swap3A_50 = arith.index_cast %scan3A_35 : i32 to index
      %swap3A_51 = arith.constant 48 : index
      %swap3A_52 = tpu.vector_load %arg6[%swap3A_50, %swap3A_51] {strides = array<i32>} : memref<125x128xf32, #tpu.memory_space<vmem>>, vector<1x16xf32>,
      %swap3A_53 = vector.shape_cast %swap3A_52 : vector<1x16xf32> to vector<16xf32>
      %swap3A_54 = vector.shape_cast %broadcast_in_dim3A_8 : vector<16xf32> to vector<1x16xf32>
      tpu.vector_store %arg6[%swap3A_50, %swap3A_51], %swap3A_54 {strides = array<i32>} : memref<125x128xf32, #tpu.memory_space<vmem>>, vector<1x16xf32>,
      %swap3A_55 = arith.index_cast %scan3A_35 : i32 to index
      %swap3A_56 = arith.constant 64 : index
      %swap3A_57 = tpu.vector_load %arg6[%swap3A_55, %swap3A_56] {strides = array<i32>} : memref<125x128xf32, #tpu.memory_space<vmem>>, vector<1x16xf32>,
      %swap3A_58 = vector.shape_cast %swap3A_57 : vector<1x16xf32> to vector<16xf32>
      %swap3A_59 = vector.shape_cast %broadcast_in_dim3A_8 : vector<16xf32> to vector<1x16xf32>
      tpu.vector_store %arg6[%swap3A_55, %swap3A_56], %swap3A_59 {strides = array<i32>} : memref<125x128xf32, #tpu.memory_space<vmem>>, vector<1x16xf32>,
      %swap3A_60 = arith.index_cast %scan3A_35 : i32 to index
      %swap3A_61 = arith.constant 80 : index
      %swap3A_62 = tpu.vector_load %arg6[%swap3A_60, %swap3A_61] {strides = array<i32>} : memref<125x128xf32, #tpu.memory_space<vmem>>, vector<1x16xf32>,
      %swap3A_63 = vector.shape_cast %swap3A_62 : vector<1x16xf32> to vector<16xf32>
      %swap3A_64 = vector.shape_cast %broadcast_in_dim3A_8 : vector<16xf32> to vector<1x16xf32>
      tpu.vector_store %arg6[%swap3A_60, %swap3A_61], %swap3A_64 {strides = array<i32>} : memref<125x128xf32, #tpu.memory_space<vmem>>, vector<1x16xf32>,
      %swap3A_65 = arith.index_cast %scan3A_35 : i32 to index
      %swap3A_66 = arith.constant 96 : index
      %swap3A_67 = tpu.vector_load %arg6[%swap3A_65, %swap3A_66] {strides = array<i32>} : memref<125x128xf32, #tpu.memory_space<vmem>>, vector<1x16xf32>,
      %swap3A_68 = vector.shape_cast %swap3A_67 : vector<1x16xf32> to vector<16xf32>
      %swap3A_69 = vector.shape_cast %broadcast_in_dim3A_8 : vector<16xf32> to vector<1x16xf32>
      tpu.vector_store %arg6[%swap3A_65, %swap3A_66], %swap3A_69 {strides = array<i32>} : memref<125x128xf32, #tpu.memory_space<vmem>>, vector<1x16xf32>,
      %swap3A_70 = arith.index_cast %scan3A_35 : i32 to index
      %swap3A_71 = arith.constant 112 : index
      %swap3A_72 = tpu.vector_load %arg6[%swap3A_70, %swap3A_71] {strides = array<i32>} : memref<125x128xf32, #tpu.memory_space<vmem>>, vector<1x16xf32>,
      %swap3A_73 = vector.shape_cast %swap3A_72 : vector<1x16xf32> to vector<16xf32>
      %swap3A_74 = vector.shape_cast %broadcast_in_dim3A_8 : vector<16xf32> to vector<1x16xf32>
      tpu.vector_store %arg6[%swap3A_70, %swap3A_71], %swap3A_74 {strides = array<i32>} : memref<125x128xf32, #tpu.memory_space<vmem>>, vector<1x16xf32>,
    }
    %scan3A_13 = arith.constant 125 : i32
    %mul3A_14 = arith.constant 640 : i32
    %mul3A_15 = arith.muli %arg1, %mul3A_14 : i32
    %mul3A_16 = arith.constant 640 : i32
    %mul3A_17 = arith.muli %arg1, %mul3A_16 : i32
    %dma_wait3A = arith.constant 0 : i32
    %dma_wait3A_18 = tpu.memref_slice %arg7[%mul3A_17, %dma_wait3A] : memref<10240x128xf32, #tpu.memory_space<vmem_shared>> -> memref<640x128xf32, #tpu.memory_space<vmem_shared>>
    %dma_wait3A_19 = arith.constant 0 : i32
    %dma_wait3A_20 = tpu.memref_slice %arg3[%mul3A_15, %dma_wait3A_19] : memref<10240x128xf32, #tpu.memory_space<hbm>> -> memref<640x128xf32, #tpu.memory_space<hbm>>
    tpu.wait_dma2 semaphore(%arg8 : memref<!tpu.dma_semaphore, #tpu.memory_space<semaphore_mem>>) src(%dma_wait3A_20 : memref<640x128xf32, #tpu.memory_space<hbm>>) dst(%dma_wait3A_18 : memref<640x128xf32, #tpu.memory_space<vmem_shared>>)
    %barrier3A = arith.constant 0 : index
    tpu.barrier barrier_id(%barrier3A)
    %scan3A_21 = arith.constant 0 : i32
    %scan3A_22 = arith.constant 0 : i32
    %scan3A_23 = arith.constant 80 : i32
    %scan3A_24 = arith.addi %scan3A_22, %scan3A_23 : i32
    %scan3A_25 = arith.constant 1 : i32
    scf.for %scan3A_35 = %scan3A_22 to %scan3A_24 step %scan3A_25  : i32 {
      "tpu.region"() ({
        %run_scoped3A = tpu.sem_alloc : memref<!tpu.dma_semaphore, #tpu.memory_space<semaphore_mem>>
        %dma_start3A_36 = arith.constant 0 : i32
        %dma_start3A_37 = tpu.memref_slice %arg5[%scan3A_35, %dma_start3A_36] : memref<80x125xi32, #tpu.memory_space<vmem>> -> memref<1x125xi32, #tpu.memory_space<vmem>>
        %dma_start3A_38 = tpu.memref_squeeze %dma_start3A_37 : memref<1x125xi32, #tpu.memory_space<vmem>> -> memref<125xi32, #tpu.memory_space<vmem>>
        %dma_start3A_39 = arith.constant 0 : i32
        %dma_start3A_40 = arith.constant 0 : i32
        %dma_start3A_41 = tpu.memref_slice %arg7[%dma_start3A_39, %dma_start3A_40] : memref<10240x128xf32, #tpu.memory_space<vmem_shared>> -> memref<10240x128xf32, #tpu.memory_space<vmem_shared>>
        tpu.enqueue_indirect_dma source(%arg6 : memref<125x128xf32, #tpu.memory_space<vmem>>) target(%dma_start3A_41 : memref<10240x128xf32, #tpu.memory_space<vmem_shared>>) offsets(%dma_start3A_38 : memref<125xi32, #tpu.memory_space<vmem>>) semaphore(%run_scoped3A : memref<!tpu.dma_semaphore, #tpu.memory_space<semaphore_mem>>) {add = true}
        %dma_wait3A_42 = arith.constant 0 : i32
        %dma_wait3A_43 = tpu.memref_slice %arg5[%scan3A_35, %dma_wait3A_42] : memref<80x125xi32, #tpu.memory_space<vmem>> -> memref<1x125xi32, #tpu.memory_space<vmem>>
        %dma_wait3A_44 = tpu.memref_squeeze %dma_wait3A_43 : memref<1x125xi32, #tpu.memory_space<vmem>> -> memref<125xi32, #tpu.memory_space<vmem>>
        %dma_wait3A_45 = arith.constant 0 : i32
        %dma_wait3A_46 = arith.constant 0 : i32
        %dma_wait3A_47 = tpu.memref_slice %arg7[%dma_wait3A_45, %dma_wait3A_46] : memref<10240x128xf32, #tpu.memory_space<vmem_shared>> -> memref<10240x128xf32, #tpu.memory_space<vmem_shared>>
        tpu.wait_indirect_dma semaphore(%run_scoped3A : memref<!tpu.dma_semaphore, #tpu.memory_space<semaphore_mem>>) src(%arg6 : memref<125x128xf32, #tpu.memory_space<vmem>>) dst(%dma_wait3A_47 : memref<10240x128xf32, #tpu.memory_space<vmem_shared>>)
        tpu.yield
      }) : () -> ()
    }
    %scan3A_26 = arith.constant 80 : i32
    %barrier3A_27 = arith.constant 0 : index
    tpu.barrier barrier_id(%barrier3A_27)
    %mul3A_28 = arith.constant 640 : i32
    %mul3A_29 = arith.muli %arg1, %mul3A_28 : i32
    %mul3A_30 = arith.constant 10240 : i32
    %mul3A_31 = arith.muli %arg0, %mul3A_30 : i32
    %mul3A_32 = arith.constant 640 : i32
    %mul3A_33 = arith.muli %arg1, %mul3A_32 : i32
    %add3A_34 = arith.addi %mul3A_31, %mul3A_33 : i32
    "tpu.region"() ({
      %run_scoped3A = tpu.sem_alloc : memref<!tpu.dma_semaphore, #tpu.memory_space<semaphore_mem>>
      %dma_start3A_35 = arith.constant 0 : i32
      %dma_start3A_36 = tpu.memref_slice %arg4[%add3A_34, %dma_start3A_35] : memref<20480x128xf32, #tpu.memory_space<hbm>> -> memref<640x128xf32, #tpu.memory_space<hbm>>
      %dma_start3A_37 = arith.constant 0 : i32
      %dma_start3A_38 = tpu.memref_slice %arg7[%mul3A_29, %dma_start3A_37] : memref<10240x128xf32, #tpu.memory_space<vmem_shared>> -> memref<640x128xf32, #tpu.memory_space<vmem_shared>>
      tpu.enqueue_dma source(%dma_start3A_38 : memref<640x128xf32, #tpu.memory_space<vmem_shared>>) target(%dma_start3A_36 : memref<640x128xf32, #tpu.memory_space<hbm>>) target_semaphore(%run_scoped3A : memref<!tpu.dma_semaphore, #tpu.memory_space<semaphore_mem>>)
      %dma_wait3A_39 = arith.constant 0 : i32
      %dma_wait3A_40 = tpu.memref_slice %arg4[%add3A_34, %dma_wait3A_39] : memref<20480x128xf32, #tpu.memory_space<hbm>> -> memref<640x128xf32, #tpu.memory_space<hbm>>
      %dma_wait3A_41 = arith.constant 0 : i32
      %dma_wait3A_42 = tpu.memref_slice %arg7[%mul3A_29, %dma_wait3A_41] : memref<10240x128xf32, #tpu.memory_space<vmem_shared>> -> memref<640x128xf32, #tpu.memory_space<vmem_shared>>
      tpu.wait_dma2 semaphore(%run_scoped3A : memref<!tpu.dma_semaphore, #tpu.memory_space<semaphore_mem>>) src(%dma_wait3A_42 : memref<640x128xf32, #tpu.memory_space<vmem_shared>>) dst(%dma_wait3A_40 : memref<640x128xf32, #tpu.memory_space<hbm>>)
      tpu.yield
    }) : () -> ()
    return
  }
}

#map = affine_map<(d0, d1) -> (0, 0)>
#map1 = affine_map<(d0, d1) -> (0, 0, 0)>
module attributes {stable_mosaic.version = 14 : i64} {
  func.func @_sc_scatter_body(%arg0: i32, %arg1: i32, %arg2: memref<10240x128xf32, #tpu.memory_space<hbm>>, %arg3: memref<32x80x125xi32, #tpu.memory_space<hbm>>, %arg4: memref<32x80x125xi32, #tpu.memory_space<hbm>>, %arg5: memref<10240x128xf32, #tpu.memory_space<hbm>>, %arg6: memref<20480x128xf32, #tpu.memory_space<hbm>>, %arg7: memref<80x125xi32, #tpu.memory_space<vmem>>, %arg8: memref<80x125xi32, #tpu.memory_space<vmem>>, %arg9: memref<125x128xf32, #tpu.memory_space<vmem>>, %arg10: memref<10240x128xf32, #tpu.memory_space<vmem_shared>>, %arg11: memref<!tpu.dma_semaphore, #tpu.memory_space<semaphore_mem>>) attributes {dimension_semantics = [#tpu.dimension_semantics<core_parallel>, #tpu.dimension_semantics<subcore_parallel>], iteration_bounds = array<i64: 2, 16>, scalar_prefetch = 0 : i64, scratch_operands = 5 : i64, tpu.core_type = #tpu.core_type<sc_vector_subcore>, window_params = [{transform_indices = #map}, {transform_indices = #map1}, {transform_indices = #map1}, {transform_indices = #map}, {transform_indices = #map}]} {
    %mul3A = arith.constant 16 : i32
    %mul3A_0 = arith.muli %arg0, %mul3A : i32
    %add3A = arith.addi %mul3A_0, %arg1 : i32
    "tpu.region"() ({
      %run_scoped3A_30 = tpu.sem_alloc : memref<!tpu.dma_semaphore, #tpu.memory_space<semaphore_mem>>
      %dma_start3A_31 = arith.constant 0 : i32
      %dma_start3A_32 = arith.constant 0 : i32
      %dma_start3A_33 = tpu.memref_slice %arg3[%add3A, %dma_start3A_31, %dma_start3A_32] : memref<32x80x125xi32, #tpu.memory_space<hbm>> -> memref<1x80x125xi32, #tpu.memory_space<hbm>>
      %dma_start3A_34 = tpu.memref_squeeze %dma_start3A_33 : memref<1x80x125xi32, #tpu.memory_space<hbm>> -> memref<80x125xi32, #tpu.memory_space<hbm>>
      %dma_start3A_35 = arith.constant 0 : i32
      %dma_start3A_36 = arith.constant 0 : i32
      %dma_start3A_37 = tpu.memref_slice %arg3[%add3A, %dma_start3A_35, %dma_start3A_36] : memref<32x80x125xi32, #tpu.memory_space<hbm>> -> memref<1x80x125xi32, #tpu.memory_space<hbm>>
      %dma_start3A_38 = tpu.memref_squeeze %dma_start3A_37 : memref<1x80x125xi32, #tpu.memory_space<hbm>> -> memref<80x125xi32, #tpu.memory_space<hbm>>
      tpu.enqueue_dma source(%dma_start3A_38 : memref<80x125xi32, #tpu.memory_space<hbm>>) target(%arg7 : memref<80x125xi32, #tpu.memory_space<vmem>>) target_semaphore(%run_scoped3A_30 : memref<!tpu.dma_semaphore, #tpu.memory_space<semaphore_mem>>)
      %dma_wait3A_39 = arith.constant 0 : i32
      %dma_wait3A_40 = arith.constant 0 : i32
      %dma_wait3A_41 = tpu.memref_slice %arg3[%add3A, %dma_wait3A_39, %dma_wait3A_40] : memref<32x80x125xi32, #tpu.memory_space<hbm>> -> memref<1x80x125xi32, #tpu.memory_space<hbm>>
      %dma_wait3A_42 = tpu.memref_squeeze %dma_wait3A_41 : memref<1x80x125xi32, #tpu.memory_space<hbm>> -> memref<80x125xi32, #tpu.memory_space<hbm>>
      %dma_wait3A_43 = arith.constant 0 : i32
      %dma_wait3A_44 = arith.constant 0 : i32
      %dma_wait3A_45 = tpu.memref_slice %arg3[%add3A, %dma_wait3A_43, %dma_wait3A_44] : memref<32x80x125xi32, #tpu.memory_space<hbm>> -> memref<1x80x125xi32, #tpu.memory_space<hbm>>
      %dma_wait3A_46 = tpu.memref_squeeze %dma_wait3A_45 : memref<1x80x125xi32, #tpu.memory_space<hbm>> -> memref<80x125xi32, #tpu.memory_space<hbm>>
      tpu.wait_dma2 semaphore(%run_scoped3A_30 : memref<!tpu.dma_semaphore, #tpu.memory_space<semaphore_mem>>) src(%dma_wait3A_46 : memref<80x125xi32, #tpu.memory_space<hbm>>) dst(%arg7 : memref<80x125xi32, #tpu.memory_space<vmem>>)
      tpu.yield
    }) : () -> ()
    "tpu.region"() ({
      %run_scoped3A_30 = tpu.sem_alloc : memref<!tpu.dma_semaphore, #tpu.memory_space<semaphore_mem>>
      %dma_start3A_31 = arith.constant 0 : i32
      %dma_start3A_32 = arith.constant 0 : i32
      %dma_start3A_33 = tpu.memref_slice %arg4[%add3A, %dma_start3A_31, %dma_start3A_32] : memref<32x80x125xi32, #tpu.memory_space<hbm>> -> memref<1x80x125xi32, #tpu.memory_space<hbm>>
      %dma_start3A_34 = tpu.memref_squeeze %dma_start3A_33 : memref<1x80x125xi32, #tpu.memory_space<hbm>> -> memref<80x125xi32, #tpu.memory_space<hbm>>
      %dma_start3A_35 = arith.constant 0 : i32
      %dma_start3A_36 = arith.constant 0 : i32
      %dma_start3A_37 = tpu.memref_slice %arg4[%add3A, %dma_start3A_35, %dma_start3A_36] : memref<32x80x125xi32, #tpu.memory_space<hbm>> -> memref<1x80x125xi32, #tpu.memory_space<hbm>>
      %dma_start3A_38 = tpu.memref_squeeze %dma_start3A_37 : memref<1x80x125xi32, #tpu.memory_space<hbm>> -> memref<80x125xi32, #tpu.memory_space<hbm>>
      tpu.enqueue_dma source(%dma_start3A_38 : memref<80x125xi32, #tpu.memory_space<hbm>>) target(%arg8 : memref<80x125xi32, #tpu.memory_space<vmem>>) target_semaphore(%run_scoped3A_30 : memref<!tpu.dma_semaphore, #tpu.memory_space<semaphore_mem>>)
      %dma_wait3A_39 = arith.constant 0 : i32
      %dma_wait3A_40 = arith.constant 0 : i32
      %dma_wait3A_41 = tpu.memref_slice %arg4[%add3A, %dma_wait3A_39, %dma_wait3A_40] : memref<32x80x125xi32, #tpu.memory_space<hbm>> -> memref<1x80x125xi32, #tpu.memory_space<hbm>>
      %dma_wait3A_42 = tpu.memref_squeeze %dma_wait3A_41 : memref<1x80x125xi32, #tpu.memory_space<hbm>> -> memref<80x125xi32, #tpu.memory_space<hbm>>
      %dma_wait3A_43 = arith.constant 0 : i32
      %dma_wait3A_44 = arith.constant 0 : i32
      %dma_wait3A_45 = tpu.memref_slice %arg4[%add3A, %dma_wait3A_43, %dma_wait3A_44] : memref<32x80x125xi32, #tpu.memory_space<hbm>> -> memref<1x80x125xi32, #tpu.memory_space<hbm>>
      %dma_wait3A_46 = tpu.memref_squeeze %dma_wait3A_45 : memref<1x80x125xi32, #tpu.memory_space<hbm>> -> memref<80x125xi32, #tpu.memory_space<hbm>>
      tpu.wait_dma2 semaphore(%run_scoped3A_30 : memref<!tpu.dma_semaphore, #tpu.memory_space<semaphore_mem>>) src(%dma_wait3A_46 : memref<80x125xi32, #tpu.memory_space<hbm>>) dst(%arg8 : memref<80x125xi32, #tpu.memory_space<vmem>>)
      tpu.yield
    }) : () -> ()
    %dma_start3A = arith.constant 0 : i32
    %dma_start3A_1 = arith.constant 0 : i32
    %dma_start3A_2 = tpu.memref_slice %arg7[%dma_start3A, %dma_start3A_1] : memref<80x125xi32, #tpu.memory_space<vmem>> -> memref<1x125xi32, #tpu.memory_space<vmem>>
    %dma_start3A_3 = tpu.memref_squeeze %dma_start3A_2 : memref<1x125xi32, #tpu.memory_space<vmem>> -> memref<125xi32, #tpu.memory_space<vmem>>
    %dma_start3A_4 = arith.constant 0 : i32
    %dma_start3A_5 = arith.constant 0 : i32
    %dma_start3A_6 = tpu.memref_slice %arg2[%dma_start3A_4, %dma_start3A_5] : memref<10240x128xf32, #tpu.memory_space<hbm>> -> memref<10240x128xf32, #tpu.memory_space<hbm>>
    tpu.enqueue_indirect_dma source(%dma_start3A_6 : memref<10240x128xf32, #tpu.memory_space<hbm>>) target(%arg9 : memref<125x128xf32, #tpu.memory_space<vmem>>) offsets(%dma_start3A_3 : memref<125xi32, #tpu.memory_space<vmem>>) semaphore(%arg11 : memref<!tpu.dma_semaphore, #tpu.memory_space<semaphore_mem>>)
    %mul3A_7 = arith.constant 640 : i32
    %mul3A_8 = arith.muli %arg1, %mul3A_7 : i32
    %mul3A_9 = arith.constant 640 : i32
    %mul3A_10 = arith.muli %arg1, %mul3A_9 : i32
    "tpu.region"() ({
      %run_scoped3A_30 = tpu.sem_alloc : memref<!tpu.dma_semaphore, #tpu.memory_space<semaphore_mem>>
      %dma_start3A_31 = arith.constant 0 : i32
      %dma_start3A_32 = tpu.memref_slice %arg10[%mul3A_10, %dma_start3A_31] : memref<10240x128xf32, #tpu.memory_space<vmem_shared>> -> memref<640x128xf32, #tpu.memory_space<vmem_shared>>
      %dma_start3A_33 = arith.constant 0 : i32
      %dma_start3A_34 = tpu.memref_slice %arg5[%mul3A_8, %dma_start3A_33] : memref<10240x128xf32, #tpu.memory_space<hbm>> -> memref<640x128xf32, #tpu.memory_space<hbm>>
      tpu.enqueue_dma source(%dma_start3A_34 : memref<640x128xf32, #tpu.memory_space<hbm>>) target(%dma_start3A_32 : memref<640x128xf32, #tpu.memory_space<vmem_shared>>) target_semaphore(%run_scoped3A_30 : memref<!tpu.dma_semaphore, #tpu.memory_space<semaphore_mem>>)
      %dma_wait3A_35 = arith.constant 0 : i32
      %dma_wait3A_36 = tpu.memref_slice %arg10[%mul3A_10, %dma_wait3A_35] : memref<10240x128xf32, #tpu.memory_space<vmem_shared>> -> memref<640x128xf32, #tpu.memory_space<vmem_shared>>
      %dma_wait3A_37 = arith.constant 0 : i32
      %dma_wait3A_38 = tpu.memref_slice %arg5[%mul3A_8, %dma_wait3A_37] : memref<10240x128xf32, #tpu.memory_space<hbm>> -> memref<640x128xf32, #tpu.memory_space<hbm>>
      tpu.wait_dma2 semaphore(%run_scoped3A_30 : memref<!tpu.dma_semaphore, #tpu.memory_space<semaphore_mem>>) src(%dma_wait3A_38 : memref<640x128xf32, #tpu.memory_space<hbm>>) dst(%dma_wait3A_36 : memref<640x128xf32, #tpu.memory_space<vmem_shared>>)
      tpu.yield
    }) : () -> ()
    %barrier3A = arith.constant 0 : index
    tpu.barrier barrier_id(%barrier3A)
    %dma_wait3A = arith.constant 0 : i32
    %dma_wait3A_11 = arith.constant 0 : i32
    %dma_wait3A_12 = tpu.memref_slice %arg7[%dma_wait3A, %dma_wait3A_11] : memref<80x125xi32, #tpu.memory_space<vmem>> -> memref<1x125xi32, #tpu.memory_space<vmem>>
    %dma_wait3A_13 = tpu.memref_squeeze %dma_wait3A_12 : memref<1x125xi32, #tpu.memory_space<vmem>> -> memref<125xi32, #tpu.memory_space<vmem>>
    %dma_wait3A_14 = arith.constant 0 : i32
    %dma_wait3A_15 = arith.constant 0 : i32
    %dma_wait3A_16 = tpu.memref_slice %arg2[%dma_wait3A_14, %dma_wait3A_15] : memref<10240x128xf32, #tpu.memory_space<hbm>> -> memref<10240x128xf32, #tpu.memory_space<hbm>>
    tpu.wait_indirect_dma semaphore(%arg11 : memref<!tpu.dma_semaphore, #tpu.memory_space<semaphore_mem>>) src(%dma_wait3A_16 : memref<10240x128xf32, #tpu.memory_space<hbm>>) dst(%arg9 : memref<125x128xf32, #tpu.memory_space<vmem>>)
    %run_scoped3A = arith.constant 0 : i32
    "tpu.region"() ({
      %run_scoped3A_30 = tpu.sem_alloc : memref<!tpu.dma_semaphore, #tpu.memory_space<semaphore_mem>>
      %dma_start3A_31 = arith.constant 0 : i32
      %dma_start3A_32 = tpu.memref_slice %arg8[%run_scoped3A, %dma_start3A_31] : memref<80x125xi32, #tpu.memory_space<vmem>> -> memref<1x125xi32, #tpu.memory_space<vmem>>
      %dma_start3A_33 = tpu.memref_squeeze %dma_start3A_32 : memref<1x125xi32, #tpu.memory_space<vmem>> -> memref<125xi32, #tpu.memory_space<vmem>>
      %dma_start3A_34 = arith.constant 0 : i32
      %dma_start3A_35 = arith.constant 0 : i32
      %dma_start3A_36 = tpu.memref_slice %arg10[%dma_start3A_34, %dma_start3A_35] : memref<10240x128xf32, #tpu.memory_space<vmem_shared>> -> memref<10240x128xf32, #tpu.memory_space<vmem_shared>>
      tpu.enqueue_indirect_dma source(%arg9 : memref<125x128xf32, #tpu.memory_space<vmem>>) target(%dma_start3A_36 : memref<10240x128xf32, #tpu.memory_space<vmem_shared>>) offsets(%dma_start3A_33 : memref<125xi32, #tpu.memory_space<vmem>>) semaphore(%run_scoped3A_30 : memref<!tpu.dma_semaphore, #tpu.memory_space<semaphore_mem>>) {add = true}
      %dma_wait3A_37 = arith.constant 0 : i32
      %dma_wait3A_38 = tpu.memref_slice %arg8[%run_scoped3A, %dma_wait3A_37] : memref<80x125xi32, #tpu.memory_space<vmem>> -> memref<1x125xi32, #tpu.memory_space<vmem>>
      %dma_wait3A_39 = tpu.memref_squeeze %dma_wait3A_38 : memref<1x125xi32, #tpu.memory_space<vmem>> -> memref<125xi32, #tpu.memory_space<vmem>>
      %dma_wait3A_40 = arith.constant 0 : i32
      %dma_wait3A_41 = arith.constant 0 : i32
      %dma_wait3A_42 = tpu.memref_slice %arg10[%dma_wait3A_40, %dma_wait3A_41] : memref<10240x128xf32, #tpu.memory_space<vmem_shared>> -> memref<10240x128xf32, #tpu.memory_space<vmem_shared>>
      tpu.wait_indirect_dma semaphore(%run_scoped3A_30 : memref<!tpu.dma_semaphore, #tpu.memory_space<semaphore_mem>>) src(%arg9 : memref<125x128xf32, #tpu.memory_space<vmem>>) dst(%dma_wait3A_42 : memref<10240x128xf32, #tpu.memory_space<vmem_shared>>)
      tpu.yield
    }) : () -> ()
    %scan3A = arith.constant 0 : i32
    %scan3A_17 = arith.constant 1 : i32
    %scan3A_18 = arith.constant 79 : i32
    %scan3A_19 = arith.addi %scan3A_17, %scan3A_18 : i32
    %scan3A_20 = arith.constant 1 : i32
    scf.for %scan3A_30 = %scan3A_17 to %scan3A_19 step %scan3A_20  : i32 {
      %dma_start3A_31 = arith.constant 0 : i32
      %dma_start3A_32 = tpu.memref_slice %arg7[%scan3A_30, %dma_start3A_31] : memref<80x125xi32, #tpu.memory_space<vmem>> -> memref<1x125xi32, #tpu.memory_space<vmem>>
      %dma_start3A_33 = tpu.memref_squeeze %dma_start3A_32 : memref<1x125xi32, #tpu.memory_space<vmem>> -> memref<125xi32, #tpu.memory_space<vmem>>
      %dma_start3A_34 = arith.constant 0 : i32
      %dma_start3A_35 = arith.constant 0 : i32
      %dma_start3A_36 = tpu.memref_slice %arg2[%dma_start3A_34, %dma_start3A_35] : memref<10240x128xf32, #tpu.memory_space<hbm>> -> memref<10240x128xf32, #tpu.memory_space<hbm>>
      tpu.enqueue_indirect_dma source(%dma_start3A_36 : memref<10240x128xf32, #tpu.memory_space<hbm>>) target(%arg9 : memref<125x128xf32, #tpu.memory_space<vmem>>) offsets(%dma_start3A_33 : memref<125xi32, #tpu.memory_space<vmem>>) semaphore(%arg11 : memref<!tpu.dma_semaphore, #tpu.memory_space<semaphore_mem>>)
      %dma_wait3A_37 = arith.constant 0 : i32
      %dma_wait3A_38 = tpu.memref_slice %arg7[%scan3A_30, %dma_wait3A_37] : memref<80x125xi32, #tpu.memory_space<vmem>> -> memref<1x125xi32, #tpu.memory_space<vmem>>
      %dma_wait3A_39 = tpu.memref_squeeze %dma_wait3A_38 : memref<1x125xi32, #tpu.memory_space<vmem>> -> memref<125xi32, #tpu.memory_space<vmem>>
      %dma_wait3A_40 = arith.constant 0 : i32
      %dma_wait3A_41 = arith.constant 0 : i32
      %dma_wait3A_42 = tpu.memref_slice %arg2[%dma_wait3A_40, %dma_wait3A_41] : memref<10240x128xf32, #tpu.memory_space<hbm>> -> memref<10240x128xf32, #tpu.memory_space<hbm>>
      tpu.wait_indirect_dma semaphore(%arg11 : memref<!tpu.dma_semaphore, #tpu.memory_space<semaphore_mem>>) src(%dma_wait3A_42 : memref<10240x128xf32, #tpu.memory_space<hbm>>) dst(%arg9 : memref<125x128xf32, #tpu.memory_space<vmem>>)
      "tpu.region"() ({
        %run_scoped3A_43 = tpu.sem_alloc : memref<!tpu.dma_semaphore, #tpu.memory_space<semaphore_mem>>
        %dma_start3A_44 = arith.constant 0 : i32
        %dma_start3A_45 = tpu.memref_slice %arg8[%scan3A_30, %dma_start3A_44] : memref<80x125xi32, #tpu.memory_space<vmem>> -> memref<1x125xi32, #tpu.memory_space<vmem>>
        %dma_start3A_46 = tpu.memref_squeeze %dma_start3A_45 : memref<1x125xi32, #tpu.memory_space<vmem>> -> memref<125xi32, #tpu.memory_space<vmem>>
        %dma_start3A_47 = arith.constant 0 : i32
        %dma_start3A_48 = arith.constant 0 : i32
        %dma_start3A_49 = tpu.memref_slice %arg10[%dma_start3A_47, %dma_start3A_48] : memref<10240x128xf32, #tpu.memory_space<vmem_shared>> -> memref<10240x128xf32, #tpu.memory_space<vmem_shared>>
        tpu.enqueue_indirect_dma source(%arg9 : memref<125x128xf32, #tpu.memory_space<vmem>>) target(%dma_start3A_49 : memref<10240x128xf32, #tpu.memory_space<vmem_shared>>) offsets(%dma_start3A_46 : memref<125xi32, #tpu.memory_space<vmem>>) semaphore(%run_scoped3A_43 : memref<!tpu.dma_semaphore, #tpu.memory_space<semaphore_mem>>) {add = true}
        %dma_wait3A_50 = arith.constant 0 : i32
        %dma_wait3A_51 = tpu.memref_slice %arg8[%scan3A_30, %dma_wait3A_50] : memref<80x125xi32, #tpu.memory_space<vmem>> -> memref<1x125xi32, #tpu.memory_space<vmem>>
        %dma_wait3A_52 = tpu.memref_squeeze %dma_wait3A_51 : memref<1x125xi32, #tpu.memory_space<vmem>> -> memref<125xi32, #tpu.memory_space<vmem>>
        %dma_wait3A_53 = arith.constant 0 : i32
        %dma_wait3A_54 = arith.constant 0 : i32
        %dma_wait3A_55 = tpu.memref_slice %arg10[%dma_wait3A_53, %dma_wait3A_54] : memref<10240x128xf32, #tpu.memory_space<vmem_shared>> -> memref<10240x128xf32, #tpu.memory_space<vmem_shared>>
        tpu.wait_indirect_dma semaphore(%run_scoped3A_43 : memref<!tpu.dma_semaphore, #tpu.memory_space<semaphore_mem>>) src(%arg9 : memref<125x128xf32, #tpu.memory_space<vmem>>) dst(%dma_wait3A_55 : memref<10240x128xf32, #tpu.memory_space<vmem_shared>>)
        tpu.yield
      }) : () -> ()
    }
    %scan3A_21 = arith.constant 79 : i32
    %barrier3A_22 = arith.constant 0 : index
    tpu.barrier barrier_id(%barrier3A_22)
    %mul3A_23 = arith.constant 640 : i32
    %mul3A_24 = arith.muli %arg1, %mul3A_23 : i32
    %mul3A_25 = arith.constant 10240 : i32
    %mul3A_26 = arith.muli %arg0, %mul3A_25 : i32
    %mul3A_27 = arith.constant 640 : i32
    %mul3A_28 = arith.muli %arg1, %mul3A_27 : i32
    %add3A_29 = arith.addi %mul3A_26, %mul3A_28 : i32
    "tpu.region"() ({
      %run_scoped3A_30 = tpu.sem_alloc : memref<!tpu.dma_semaphore, #tpu.memory_space<semaphore_mem>>
      %dma_start3A_31 = arith.constant 0 : i32
      %dma_start3A_32 = tpu.memref_slice %arg6[%add3A_29, %dma_start3A_31] : memref<20480x128xf32, #tpu.memory_space<hbm>> -> memref<640x128xf32, #tpu.memory_space<hbm>>
      %dma_start3A_33 = arith.constant 0 : i32
      %dma_start3A_34 = tpu.memref_slice %arg10[%mul3A_24, %dma_start3A_33] : memref<10240x128xf32, #tpu.memory_space<vmem_shared>> -> memref<640x128xf32, #tpu.memory_space<vmem_shared>>
      tpu.enqueue_dma source(%dma_start3A_34 : memref<640x128xf32, #tpu.memory_space<vmem_shared>>) target(%dma_start3A_32 : memref<640x128xf32, #tpu.memory_space<hbm>>) target_semaphore(%run_scoped3A_30 : memref<!tpu.dma_semaphore, #tpu.memory_space<semaphore_mem>>)
      %dma_wait3A_35 = arith.constant 0 : i32
      %dma_wait3A_36 = tpu.memref_slice %arg6[%add3A_29, %dma_wait3A_35] : memref<20480x128xf32, #tpu.memory_space<hbm>> -> memref<640x128xf32, #tpu.memory_space<hbm>>
      %dma_wait3A_37 = arith.constant 0 : i32
      %dma_wait3A_38 = tpu.memref_slice %arg10[%mul3A_24, %dma_wait3A_37] : memref<10240x128xf32, #tpu.memory_space<vmem_shared>> -> memref<640x128xf32, #tpu.memory_space<vmem_shared>>
      tpu.wait_dma2 semaphore(%run_scoped3A_30 : memref<!tpu.dma_semaphore, #tpu.memory_space<semaphore_mem>>) src(%dma_wait3A_38 : memref<640x128xf32, #tpu.memory_space<vmem_shared>>) dst(%dma_wait3A_36 : memref<640x128xf32, #tpu.memory_space<hbm>>)
      tpu.yield
    }) : () -> ()
    return
  }
}

#map = affine_map<(d0, d1) -> (0, 0)>
#map1 = affine_map<(d0, d1) -> (0, 0, 0)>
module attributes {stable_mosaic.version = 14 : i64} {
  func.func @_sc_scatter_body(%arg0: i32, %arg1: i32, %arg2: memref<10240x128xf32, #tpu.memory_space<hbm>>, %arg3: memref<32x80x125xi32, #tpu.memory_space<hbm>>, %arg4: memref<32x80x125xi32, #tpu.memory_space<hbm>>, %arg5: memref<10240x128xf32, #tpu.memory_space<hbm>>, %arg6: memref<20480x128xf32, #tpu.memory_space<hbm>>, %arg7: memref<80x125xi32, #tpu.memory_space<vmem>>, %arg8: memref<80x125xi32, #tpu.memory_space<vmem>>, %arg9: memref<125x128xf32, #tpu.memory_space<vmem>>, %arg10: memref<10240x128xf32, #tpu.memory_space<vmem_shared>>, %arg11: memref<!tpu.dma_semaphore, #tpu.memory_space<semaphore_mem>>) attributes {dimension_semantics = [#tpu.dimension_semantics<core_parallel>, #tpu.dimension_semantics<subcore_parallel>], iteration_bounds = array<i64: 2, 16>, scalar_prefetch = 0 : i64, scratch_operands = 5 : i64, tpu.core_type = #tpu.core_type<sc_vector_subcore>, window_params = [{transform_indices = #map}, {transform_indices = #map1}, {transform_indices = #map1}, {transform_indices = #map}, {transform_indices = #map}]} {
    %mul3A = arith.constant 16 : i32
    %mul3A_0 = arith.muli %arg0, %mul3A : i32
    %add3A = arith.addi %mul3A_0, %arg1 : i32
    "tpu.region"() ({
      %run_scoped3A_30 = tpu.sem_alloc : memref<!tpu.dma_semaphore, #tpu.memory_space<semaphore_mem>>
      %dma_start3A_31 = arith.constant 0 : i32
      %dma_start3A_32 = arith.constant 0 : i32
      %dma_start3A_33 = tpu.memref_slice %arg3[%add3A, %dma_start3A_31, %dma_start3A_32] : memref<32x80x125xi32, #tpu.memory_space<hbm>> -> memref<1x80x125xi32, #tpu.memory_space<hbm>>
      %dma_start3A_34 = tpu.memref_squeeze %dma_start3A_33 : memref<1x80x125xi32, #tpu.memory_space<hbm>> -> memref<80x125xi32, #tpu.memory_space<hbm>>
      %dma_start3A_35 = arith.constant 0 : i32
      %dma_start3A_36 = arith.constant 0 : i32
      %dma_start3A_37 = tpu.memref_slice %arg3[%add3A, %dma_start3A_35, %dma_start3A_36] : memref<32x80x125xi32, #tpu.memory_space<hbm>> -> memref<1x80x125xi32, #tpu.memory_space<hbm>>
      %dma_start3A_38 = tpu.memref_squeeze %dma_start3A_37 : memref<1x80x125xi32, #tpu.memory_space<hbm>> -> memref<80x125xi32, #tpu.memory_space<hbm>>
      tpu.enqueue_dma source(%dma_start3A_38 : memref<80x125xi32, #tpu.memory_space<hbm>>) target(%arg7 : memref<80x125xi32, #tpu.memory_space<vmem>>) target_semaphore(%run_scoped3A_30 : memref<!tpu.dma_semaphore, #tpu.memory_space<semaphore_mem>>)
      %dma_wait3A_39 = arith.constant 0 : i32
      %dma_wait3A_40 = arith.constant 0 : i32
      %dma_wait3A_41 = tpu.memref_slice %arg3[%add3A, %dma_wait3A_39, %dma_wait3A_40] : memref<32x80x125xi32, #tpu.memory_space<hbm>> -> memref<1x80x125xi32, #tpu.memory_space<hbm>>
      %dma_wait3A_42 = tpu.memref_squeeze %dma_wait3A_41 : memref<1x80x125xi32, #tpu.memory_space<hbm>> -> memref<80x125xi32, #tpu.memory_space<hbm>>
      %dma_wait3A_43 = arith.constant 0 : i32
      %dma_wait3A_44 = arith.constant 0 : i32
      %dma_wait3A_45 = tpu.memref_slice %arg3[%add3A, %dma_wait3A_43, %dma_wait3A_44] : memref<32x80x125xi32, #tpu.memory_space<hbm>> -> memref<1x80x125xi32, #tpu.memory_space<hbm>>
      %dma_wait3A_46 = tpu.memref_squeeze %dma_wait3A_45 : memref<1x80x125xi32, #tpu.memory_space<hbm>> -> memref<80x125xi32, #tpu.memory_space<hbm>>
      tpu.wait_dma2 semaphore(%run_scoped3A_30 : memref<!tpu.dma_semaphore, #tpu.memory_space<semaphore_mem>>) src(%dma_wait3A_46 : memref<80x125xi32, #tpu.memory_space<hbm>>) dst(%arg7 : memref<80x125xi32, #tpu.memory_space<vmem>>)
      tpu.yield
    }) : () -> ()
    "tpu.region"() ({
      %run_scoped3A_30 = tpu.sem_alloc : memref<!tpu.dma_semaphore, #tpu.memory_space<semaphore_mem>>
      %dma_start3A_31 = arith.constant 0 : i32
      %dma_start3A_32 = arith.constant 0 : i32
      %dma_start3A_33 = tpu.memref_slice %arg4[%add3A, %dma_start3A_31, %dma_start3A_32] : memref<32x80x125xi32, #tpu.memory_space<hbm>> -> memref<1x80x125xi32, #tpu.memory_space<hbm>>
      %dma_start3A_34 = tpu.memref_squeeze %dma_start3A_33 : memref<1x80x125xi32, #tpu.memory_space<hbm>> -> memref<80x125xi32, #tpu.memory_space<hbm>>
      %dma_start3A_35 = arith.constant 0 : i32
      %dma_start3A_36 = arith.constant 0 : i32
      %dma_start3A_37 = tpu.memref_slice %arg4[%add3A, %dma_start3A_35, %dma_start3A_36] : memref<32x80x125xi32, #tpu.memory_space<hbm>> -> memref<1x80x125xi32, #tpu.memory_space<hbm>>
      %dma_start3A_38 = tpu.memref_squeeze %dma_start3A_37 : memref<1x80x125xi32, #tpu.memory_space<hbm>> -> memref<80x125xi32, #tpu.memory_space<hbm>>
      tpu.enqueue_dma source(%dma_start3A_38 : memref<80x125xi32, #tpu.memory_space<hbm>>) target(%arg8 : memref<80x125xi32, #tpu.memory_space<vmem>>) target_semaphore(%run_scoped3A_30 : memref<!tpu.dma_semaphore, #tpu.memory_space<semaphore_mem>>)
      %dma_wait3A_39 = arith.constant 0 : i32
      %dma_wait3A_40 = arith.constant 0 : i32
      %dma_wait3A_41 = tpu.memref_slice %arg4[%add3A, %dma_wait3A_39, %dma_wait3A_40] : memref<32x80x125xi32, #tpu.memory_space<hbm>> -> memref<1x80x125xi32, #tpu.memory_space<hbm>>
      %dma_wait3A_42 = tpu.memref_squeeze %dma_wait3A_41 : memref<1x80x125xi32, #tpu.memory_space<hbm>> -> memref<80x125xi32, #tpu.memory_space<hbm>>
      %dma_wait3A_43 = arith.constant 0 : i32
      %dma_wait3A_44 = arith.constant 0 : i32
      %dma_wait3A_45 = tpu.memref_slice %arg4[%add3A, %dma_wait3A_43, %dma_wait3A_44] : memref<32x80x125xi32, #tpu.memory_space<hbm>> -> memref<1x80x125xi32, #tpu.memory_space<hbm>>
      %dma_wait3A_46 = tpu.memref_squeeze %dma_wait3A_45 : memref<1x80x125xi32, #tpu.memory_space<hbm>> -> memref<80x125xi32, #tpu.memory_space<hbm>>
      tpu.wait_dma2 semaphore(%run_scoped3A_30 : memref<!tpu.dma_semaphore, #tpu.memory_space<semaphore_mem>>) src(%dma_wait3A_46 : memref<80x125xi32, #tpu.memory_space<hbm>>) dst(%arg8 : memref<80x125xi32, #tpu.memory_space<vmem>>)
      tpu.yield
    }) : () -> ()
    %dma_start3A = arith.constant 0 : i32
    %dma_start3A_1 = arith.constant 0 : i32
    %dma_start3A_2 = tpu.memref_slice %arg7[%dma_start3A, %dma_start3A_1] : memref<80x125xi32, #tpu.memory_space<vmem>> -> memref<1x125xi32, #tpu.memory_space<vmem>>
    %dma_start3A_3 = tpu.memref_squeeze %dma_start3A_2 : memref<1x125xi32, #tpu.memory_space<vmem>> -> memref<125xi32, #tpu.memory_space<vmem>>
    %dma_start3A_4 = arith.constant 0 : i32
    %dma_start3A_5 = arith.constant 0 : i32
    %dma_start3A_6 = tpu.memref_slice %arg2[%dma_start3A_4, %dma_start3A_5] : memref<10240x128xf32, #tpu.memory_space<hbm>> -> memref<10240x128xf32, #tpu.memory_space<hbm>>
    tpu.enqueue_indirect_dma source(%dma_start3A_6 : memref<10240x128xf32, #tpu.memory_space<hbm>>) target(%arg9 : memref<125x128xf32, #tpu.memory_space<vmem>>) offsets(%dma_start3A_3 : memref<125xi32, #tpu.memory_space<vmem>>) semaphore(%arg11 : memref<!tpu.dma_semaphore, #tpu.memory_space<semaphore_mem>>)
    %mul3A_7 = arith.constant 640 : i32
    %mul3A_8 = arith.muli %arg1, %mul3A_7 : i32
    %mul3A_9 = arith.constant 640 : i32
    %mul3A_10 = arith.muli %arg1, %mul3A_9 : i32
    "tpu.region"() ({
      %run_scoped3A_30 = tpu.sem_alloc : memref<!tpu.dma_semaphore, #tpu.memory_space<semaphore_mem>>
      %dma_start3A_31 = arith.constant 0 : i32
      %dma_start3A_32 = tpu.memref_slice %arg10[%mul3A_10, %dma_start3A_31] : memref<10240x128xf32, #tpu.memory_space<vmem_shared>> -> memref<640x128xf32, #tpu.memory_space<vmem_shared>>
      %dma_start3A_33 = arith.constant 0 : i32
      %dma_start3A_34 = tpu.memref_slice %arg5[%mul3A_8, %dma_start3A_33] : memref<10240x128xf32, #tpu.memory_space<hbm>> -> memref<640x128xf32, #tpu.memory_space<hbm>>
      tpu.enqueue_dma source(%dma_start3A_34 : memref<640x128xf32, #tpu.memory_space<hbm>>) target(%dma_start3A_32 : memref<640x128xf32, #tpu.memory_space<vmem_shared>>) target_semaphore(%run_scoped3A_30 : memref<!tpu.dma_semaphore, #tpu.memory_space<semaphore_mem>>)
      %dma_wait3A_35 = arith.constant 0 : i32
      %dma_wait3A_36 = tpu.memref_slice %arg10[%mul3A_10, %dma_wait3A_35] : memref<10240x128xf32, #tpu.memory_space<vmem_shared>> -> memref<640x128xf32, #tpu.memory_space<vmem_shared>>
      %dma_wait3A_37 = arith.constant 0 : i32
      %dma_wait3A_38 = tpu.memref_slice %arg5[%mul3A_8, %dma_wait3A_37] : memref<10240x128xf32, #tpu.memory_space<hbm>> -> memref<640x128xf32, #tpu.memory_space<hbm>>
      tpu.wait_dma2 semaphore(%run_scoped3A_30 : memref<!tpu.dma_semaphore, #tpu.memory_space<semaphore_mem>>) src(%dma_wait3A_38 : memref<640x128xf32, #tpu.memory_space<hbm>>) dst(%dma_wait3A_36 : memref<640x128xf32, #tpu.memory_space<vmem_shared>>)
      tpu.yield
    }) : () -> ()
    %barrier3A = arith.constant 0 : index
    tpu.barrier barrier_id(%barrier3A)
    %dma_wait3A = arith.constant 0 : i32
    %dma_wait3A_11 = arith.constant 0 : i32
    %dma_wait3A_12 = tpu.memref_slice %arg7[%dma_wait3A, %dma_wait3A_11] : memref<80x125xi32, #tpu.memory_space<vmem>> -> memref<1x125xi32, #tpu.memory_space<vmem>>
    %dma_wait3A_13 = tpu.memref_squeeze %dma_wait3A_12 : memref<1x125xi32, #tpu.memory_space<vmem>> -> memref<125xi32, #tpu.memory_space<vmem>>
    %dma_wait3A_14 = arith.constant 0 : i32
    %dma_wait3A_15 = arith.constant 0 : i32
    %dma_wait3A_16 = tpu.memref_slice %arg2[%dma_wait3A_14, %dma_wait3A_15] : memref<10240x128xf32, #tpu.memory_space<hbm>> -> memref<10240x128xf32, #tpu.memory_space<hbm>>
    tpu.wait_indirect_dma semaphore(%arg11 : memref<!tpu.dma_semaphore, #tpu.memory_space<semaphore_mem>>) src(%dma_wait3A_16 : memref<10240x128xf32, #tpu.memory_space<hbm>>) dst(%arg9 : memref<125x128xf32, #tpu.memory_space<vmem>>)
    %run_scoped3A = arith.constant 0 : i32
    "tpu.region"() ({
      %run_scoped3A_30 = tpu.sem_alloc : memref<!tpu.dma_semaphore, #tpu.memory_space<semaphore_mem>>
      %dma_start3A_31 = arith.constant 0 : i32
      %dma_start3A_32 = tpu.memref_slice %arg8[%run_scoped3A, %dma_start3A_31] : memref<80x125xi32, #tpu.memory_space<vmem>> -> memref<1x125xi32, #tpu.memory_space<vmem>>
      %dma_start3A_33 = tpu.memref_squeeze %dma_start3A_32 : memref<1x125xi32, #tpu.memory_space<vmem>> -> memref<125xi32, #tpu.memory_space<vmem>>
      %dma_start3A_34 = arith.constant 0 : i32
      %dma_start3A_35 = arith.constant 0 : i32
      %dma_start3A_36 = tpu.memref_slice %arg10[%dma_start3A_34, %dma_start3A_35] : memref<10240x128xf32, #tpu.memory_space<vmem_shared>> -> memref<10240x128xf32, #tpu.memory_space<vmem_shared>>
      tpu.enqueue_indirect_dma source(%arg9 : memref<125x128xf32, #tpu.memory_space<vmem>>) target(%dma_start3A_36 : memref<10240x128xf32, #tpu.memory_space<vmem_shared>>) offsets(%dma_start3A_33 : memref<125xi32, #tpu.memory_space<vmem>>) semaphore(%run_scoped3A_30 : memref<!tpu.dma_semaphore, #tpu.memory_space<semaphore_mem>>) {add = true}
      %dma_wait3A_37 = arith.constant 0 : i32
      %dma_wait3A_38 = tpu.memref_slice %arg8[%run_scoped3A, %dma_wait3A_37] : memref<80x125xi32, #tpu.memory_space<vmem>> -> memref<1x125xi32, #tpu.memory_space<vmem>>
      %dma_wait3A_39 = tpu.memref_squeeze %dma_wait3A_38 : memref<1x125xi32, #tpu.memory_space<vmem>> -> memref<125xi32, #tpu.memory_space<vmem>>
      %dma_wait3A_40 = arith.constant 0 : i32
      %dma_wait3A_41 = arith.constant 0 : i32
      %dma_wait3A_42 = tpu.memref_slice %arg10[%dma_wait3A_40, %dma_wait3A_41] : memref<10240x128xf32, #tpu.memory_space<vmem_shared>> -> memref<10240x128xf32, #tpu.memory_space<vmem_shared>>
      tpu.wait_indirect_dma semaphore(%run_scoped3A_30 : memref<!tpu.dma_semaphore, #tpu.memory_space<semaphore_mem>>) src(%arg9 : memref<125x128xf32, #tpu.memory_space<vmem>>) dst(%dma_wait3A_42 : memref<10240x128xf32, #tpu.memory_space<vmem_shared>>)
      tpu.yield
    }) : () -> ()
    %scan3A = arith.constant 0 : i32
    %scan3A_17 = arith.constant 1 : i32
    %scan3A_18 = arith.constant 79 : i32
    %scan3A_19 = arith.addi %scan3A_17, %scan3A_18 : i32
    %scan3A_20 = arith.constant 1 : i32
    scf.for %scan3A_30 = %scan3A_17 to %scan3A_19 step %scan3A_20  : i32 {
      %dma_start3A_31 = arith.constant 0 : i32
      %dma_start3A_32 = tpu.memref_slice %arg7[%scan3A_30, %dma_start3A_31] : memref<80x125xi32, #tpu.memory_space<vmem>> -> memref<1x125xi32, #tpu.memory_space<vmem>>
      %dma_start3A_33 = tpu.memref_squeeze %dma_start3A_32 : memref<1x125xi32, #tpu.memory_space<vmem>> -> memref<125xi32, #tpu.memory_space<vmem>>
      %dma_start3A_34 = arith.constant 0 : i32
      %dma_start3A_35 = arith.constant 0 : i32
      %dma_start3A_36 = tpu.memref_slice %arg2[%dma_start3A_34, %dma_start3A_35] : memref<10240x128xf32, #tpu.memory_space<hbm>> -> memref<10240x128xf32, #tpu.memory_space<hbm>>
      tpu.enqueue_indirect_dma source(%dma_start3A_36 : memref<10240x128xf32, #tpu.memory_space<hbm>>) target(%arg9 : memref<125x128xf32, #tpu.memory_space<vmem>>) offsets(%dma_start3A_33 : memref<125xi32, #tpu.memory_space<vmem>>) semaphore(%arg11 : memref<!tpu.dma_semaphore, #tpu.memory_space<semaphore_mem>>)
      %dma_wait3A_37 = arith.constant 0 : i32
      %dma_wait3A_38 = tpu.memref_slice %arg7[%scan3A_30, %dma_wait3A_37] : memref<80x125xi32, #tpu.memory_space<vmem>> -> memref<1x125xi32, #tpu.memory_space<vmem>>
      %dma_wait3A_39 = tpu.memref_squeeze %dma_wait3A_38 : memref<1x125xi32, #tpu.memory_space<vmem>> -> memref<125xi32, #tpu.memory_space<vmem>>
      %dma_wait3A_40 = arith.constant 0 : i32
      %dma_wait3A_41 = arith.constant 0 : i32
      %dma_wait3A_42 = tpu.memref_slice %arg2[%dma_wait3A_40, %dma_wait3A_41] : memref<10240x128xf32, #tpu.memory_space<hbm>> -> memref<10240x128xf32, #tpu.memory_space<hbm>>
      tpu.wait_indirect_dma semaphore(%arg11 : memref<!tpu.dma_semaphore, #tpu.memory_space<semaphore_mem>>) src(%dma_wait3A_42 : memref<10240x128xf32, #tpu.memory_space<hbm>>) dst(%arg9 : memref<125x128xf32, #tpu.memory_space<vmem>>)
      "tpu.region"() ({
        %run_scoped3A_43 = tpu.sem_alloc : memref<!tpu.dma_semaphore, #tpu.memory_space<semaphore_mem>>
        %dma_start3A_44 = arith.constant 0 : i32
        %dma_start3A_45 = tpu.memref_slice %arg8[%scan3A_30, %dma_start3A_44] : memref<80x125xi32, #tpu.memory_space<vmem>> -> memref<1x125xi32, #tpu.memory_space<vmem>>
        %dma_start3A_46 = tpu.memref_squeeze %dma_start3A_45 : memref<1x125xi32, #tpu.memory_space<vmem>> -> memref<125xi32, #tpu.memory_space<vmem>>
        %dma_start3A_47 = arith.constant 0 : i32
        %dma_start3A_48 = arith.constant 0 : i32
        %dma_start3A_49 = tpu.memref_slice %arg10[%dma_start3A_47, %dma_start3A_48] : memref<10240x128xf32, #tpu.memory_space<vmem_shared>> -> memref<10240x128xf32, #tpu.memory_space<vmem_shared>>
        tpu.enqueue_indirect_dma source(%arg9 : memref<125x128xf32, #tpu.memory_space<vmem>>) target(%dma_start3A_49 : memref<10240x128xf32, #tpu.memory_space<vmem_shared>>) offsets(%dma_start3A_46 : memref<125xi32, #tpu.memory_space<vmem>>) semaphore(%run_scoped3A_43 : memref<!tpu.dma_semaphore, #tpu.memory_space<semaphore_mem>>) {add = true}
        %dma_wait3A_50 = arith.constant 0 : i32
        %dma_wait3A_51 = tpu.memref_slice %arg8[%scan3A_30, %dma_wait3A_50] : memref<80x125xi32, #tpu.memory_space<vmem>> -> memref<1x125xi32, #tpu.memory_space<vmem>>
        %dma_wait3A_52 = tpu.memref_squeeze %dma_wait3A_51 : memref<1x125xi32, #tpu.memory_space<vmem>> -> memref<125xi32, #tpu.memory_space<vmem>>
        %dma_wait3A_53 = arith.constant 0 : i32
        %dma_wait3A_54 = arith.constant 0 : i32
        %dma_wait3A_55 = tpu.memref_slice %arg10[%dma_wait3A_53, %dma_wait3A_54] : memref<10240x128xf32, #tpu.memory_space<vmem_shared>> -> memref<10240x128xf32, #tpu.memory_space<vmem_shared>>
        tpu.wait_indirect_dma semaphore(%run_scoped3A_43 : memref<!tpu.dma_semaphore, #tpu.memory_space<semaphore_mem>>) src(%arg9 : memref<125x128xf32, #tpu.memory_space<vmem>>) dst(%dma_wait3A_55 : memref<10240x128xf32, #tpu.memory_space<vmem_shared>>)
        tpu.yield
      }) : () -> ()
    }
    %scan3A_21 = arith.constant 79 : i32
    %barrier3A_22 = arith.constant 0 : index
    tpu.barrier barrier_id(%barrier3A_22)
    %mul3A_23 = arith.constant 640 : i32
    %mul3A_24 = arith.muli %arg1, %mul3A_23 : i32
    %mul3A_25 = arith.constant 10240 : i32
    %mul3A_26 = arith.muli %arg0, %mul3A_25 : i32
    %mul3A_27 = arith.constant 640 : i32
    %mul3A_28 = arith.muli %arg1, %mul3A_27 : i32
    %add3A_29 = arith.addi %mul3A_26, %mul3A_28 : i32
    "tpu.region"() ({
      %run_scoped3A_30 = tpu.sem_alloc : memref<!tpu.dma_semaphore, #tpu.memory_space<semaphore_mem>>
      %dma_start3A_31 = arith.constant 0 : i32
      %dma_start3A_32 = tpu.memref_slice %arg6[%add3A_29, %dma_start3A_31] : memref<20480x128xf32, #tpu.memory_space<hbm>> -> memref<640x128xf32, #tpu.memory_space<hbm>>
      %dma_start3A_33 = arith.constant 0 : i32
      %dma_start3A_34 = tpu.memref_slice %arg10[%mul3A_24, %dma_start3A_33] : memref<10240x128xf32, #tpu.memory_space<vmem_shared>> -> memref<640x128xf32, #tpu.memory_space<vmem_shared>>
      tpu.enqueue_dma source(%dma_start3A_34 : memref<640x128xf32, #tpu.memory_space<vmem_shared>>) target(%dma_start3A_32 : memref<640x128xf32, #tpu.memory_space<hbm>>) target_semaphore(%run_scoped3A_30 : memref<!tpu.dma_semaphore, #tpu.memory_space<semaphore_mem>>)
      %dma_wait3A_35 = arith.constant 0 : i32
      %dma_wait3A_36 = tpu.memref_slice %arg6[%add3A_29, %dma_wait3A_35] : memref<20480x128xf32, #tpu.memory_space<hbm>> -> memref<640x128xf32, #tpu.memory_space<hbm>>
      %dma_wait3A_37 = arith.constant 0 : i32
      %dma_wait3A_38 = tpu.memref_slice %arg10[%mul3A_24, %dma_wait3A_37] : memref<10240x128xf32, #tpu.memory_space<vmem_shared>> -> memref<640x128xf32, #tpu.memory_space<vmem_shared>>
      tpu.wait_dma2 semaphore(%run_scoped3A_30 : memref<!tpu.dma_semaphore, #tpu.memory_space<semaphore_mem>>) src(%dma_wait3A_38 : memref<640x128xf32, #tpu.memory_space<vmem_shared>>) dst(%dma_wait3A_36 : memref<640x128xf32, #tpu.memory_space<hbm>>)
      tpu.yield
    }) : () -> ()
    return
  }
}

module attributes {stable_mosaic.version = 14 : i64} {
  func.func @_tca_body(%arg0: i32, %arg1: memref<1024x128xf32, #tpu.memory_space<vmem>>, %arg2: memref<128x128xf32, #tpu.memory_space<vmem>>, %arg3: memref<1024x128xf32, #tpu.memory_space<vmem>>) attributes {dimension_semantics = [#tpu.dimension_semantics<arbitrary>], iteration_bounds = array<i64: 10>, scalar_prefetch = 0 : i64, scratch_operands = 0 : i64, tpu.core_type = #tpu.core_type<tc>, window_params = [{transform_indices = @transform_0, window_bounds = array<i64: 1024, 128>}, {pipeline_mode = #tpu.pipeline_mode<synchronous>, transform_indices = @transform_1, window_bounds = array<i64: 128, 128>}, {transform_indices = @transform_2, window_bounds = array<i64: 1024, 128>}]} {
    %get3A = arith.constant 0 : index
    %get3A_0 = arith.constant 0 : index
    %get3A_1 = vector.load %arg1[%get3A, %get3A_0] : memref<1024x128xf32, #tpu.memory_space<vmem>>, vector<1024x128xf32>
    %get3A_2 = arith.constant 0 : index
    %get3A_3 = arith.constant 0 : index
    %get3A_4 = vector.load %arg2[%get3A_2, %get3A_3] : memref<128x128xf32, #tpu.memory_space<vmem>>, vector<128x128xf32>
    %dot_general3A = arith.constant dense<0.000000e+00> : vector<1024x128xf32>
    %dot_general3A_5 = tpu.matmul %get3A_1, %get3A_4, %dot_general3A {dimension_numbers = #tpu.dot_dimension_numbers<[1], [0], [0], [1], [0, 0, 1, 1], [], []>, transpose_lhs_hint = false} : vector<1024x128xf32>, vector<128x128xf32>, vector<1024x128xf32> -> vector<1024x128xf32>
    %swap3A = arith.constant 0 : index
    %swap3A_6 = arith.constant 0 : index
    %swap3A_7 = vector.load %arg3[%swap3A, %swap3A_6] : memref<1024x128xf32, #tpu.memory_space<vmem>>, vector<1024x128xf32>
    tpu.vector_store %arg3[%swap3A, %swap3A_6], %dot_general3A_5 {strides = array<i32>} : memref<1024x128xf32, #tpu.memory_space<vmem>>, vector<1024x128xf32>,
    return
  }
  func.func @transform_0(%arg0: i32) -> (i32, i32) {
    %c0_i32 = arith.constant 0 : i32
    %c0_i32_0 = arith.constant 0 : i32
    return %arg0, %c0_i32 : i32, i32
  }
  func.func @transform_1(%arg0: i32) -> (i32, i32) {
    %c0_i32 = arith.constant 0 : i32
    %c0_i32_0 = arith.constant 0 : i32
    %c0_i32_1 = arith.constant 0 : i32
    return %c0_i32, %c0_i32_0 : i32, i32
  }
  func.func @transform_2(%arg0: i32) -> (i32, i32) {
    %c0_i32 = arith.constant 0 : i32
    %c0_i32_0 = arith.constant 0 : i32
    return %arg0, %c0_i32 : i32, i32
  }
}

module attributes {stable_mosaic.version = 14 : i64} {
  func.func @_tcb_body(%arg0: i32, %arg1: memref<1024x128xf32, #tpu.memory_space<vmem>>, %arg2: memref<1024x128xf32, #tpu.memory_space<vmem>>, %arg3: memref<1024x128xf32, #tpu.memory_space<vmem>>, %arg4: memref<1024x128xf32, #tpu.memory_space<vmem>>, %arg5: memref<1024x1xf32, #tpu.memory_space<vmem>>) attributes {dimension_semantics = [#tpu.dimension_semantics<arbitrary>], iteration_bounds = array<i64: 10>, scalar_prefetch = 0 : i64, scratch_operands = 0 : i64, tpu.core_type = #tpu.core_type<tc>, window_params = [{transform_indices = @transform_0, window_bounds = array<i64: 1024, 128>}, {transform_indices = @transform_1, window_bounds = array<i64: 1024, 128>}, {transform_indices = @transform_2, window_bounds = array<i64: 1024, 128>}, {transform_indices = @transform_3, window_bounds = array<i64: 1024, 128>}, {transform_indices = @transform_4, window_bounds = array<i64: 1024, 1>}]} {
    %get3A = arith.constant 0 : index
    %get3A_0 = arith.constant 0 : index
    %get3A_1 = vector.load %arg2[%get3A, %get3A_0] : memref<1024x128xf32, #tpu.memory_space<vmem>>, vector<1024x1xf32>
    %get3A_2 = arith.constant 0 : index
    %get3A_3 = arith.constant 0 : index
    %get3A_4 = vector.load %arg3[%get3A_2, %get3A_3] : memref<1024x128xf32, #tpu.memory_space<vmem>>, vector<1024x1xf32>
    %add3A = arith.addf %get3A_1, %get3A_4 : vector<1024x1xf32>
    %add3A_5 = arith.constant 1.000000e+00 : f32
    %add3A_6 = vector.broadcast %add3A_5 : f32 to vector<1024x1xf32>
    %add3A_7 = arith.addf %add3A, %add3A_6 : vector<1024x1xf32>
    %rsqrt3A = math.rsqrt %add3A_7 : vector<1024x1xf32>
    %get3A_8 = arith.constant 0 : index
    %get3A_9 = arith.constant 0 : index
    %get3A_10 = vector.load %arg1[%get3A_8, %get3A_9] : memref<1024x128xf32, #tpu.memory_space<vmem>>, vector<1024x128xf32>
    %mul3A = vector.broadcast %rsqrt3A : vector<1024x1xf32> to vector<1024x128xf32>
    %mul3A_11 = arith.mulf %get3A_10, %mul3A : vector<1024x128xf32>
    %swap3A = arith.constant 0 : index
    %swap3A_12 = arith.constant 0 : index
    %swap3A_13 = vector.load %arg4[%swap3A, %swap3A_12] : memref<1024x128xf32, #tpu.memory_space<vmem>>, vector<1024x128xf32>
    tpu.vector_store %arg4[%swap3A, %swap3A_12], %mul3A_11 {strides = array<i32>} : memref<1024x128xf32, #tpu.memory_space<vmem>>, vector<1024x128xf32>,
    %swap3A_14 = arith.constant 0 : index
    %swap3A_15 = arith.constant 0 : index
    %swap3A_16 = vector.load %arg5[%swap3A_14, %swap3A_15] : memref<1024x1xf32, #tpu.memory_space<vmem>>, vector<1024x1xf32>
    tpu.vector_store %arg5[%swap3A_14, %swap3A_15], %rsqrt3A {strides = array<i32>} : memref<1024x1xf32, #tpu.memory_space<vmem>>, vector<1024x1xf32>,
    return
  }
  func.func @transform_0(%arg0: i32) -> (i32, i32) {
    %c0_i32 = arith.constant 0 : i32
    %c0_i32_0 = arith.constant 0 : i32
    return %arg0, %c0_i32 : i32, i32
  }
  func.func @transform_1(%arg0: i32) -> (i32, i32) {
    %c0_i32 = arith.constant 0 : i32
    %c0_i32_0 = arith.constant 0 : i32
    return %arg0, %c0_i32 : i32, i32
  }
  func.func @transform_2(%arg0: i32) -> (i32, i32) {
    %add3A = arith.constant 10 : i32
    %add3A_0 = arith.addi %arg0, %add3A : i32
    %c0_i32 = arith.constant 0 : i32
    %c0_i32_1 = arith.constant 0 : i32
    return %add3A_0, %c0_i32 : i32, i32
  }
  func.func @transform_3(%arg0: i32) -> (i32, i32) {
    %c0_i32 = arith.constant 0 : i32
    %c0_i32_0 = arith.constant 0 : i32
    return %arg0, %c0_i32 : i32, i32
  }
  func.func @transform_4(%arg0: i32) -> (i32, i32) {
    %c0_i32 = arith.constant 0 : i32
    %c0_i32_0 = arith.constant 0 : i32
    return %arg0, %c0_i32 : i32, i32
  }
}

module attributes {stable_mosaic.version = 14 : i64} {
  func.func @_tc2_body(%arg0: i32, %arg1: memref<1024x128xf32, #tpu.memory_space<vmem>>, %arg2: memref<1024x128xf32, #tpu.memory_space<vmem>>, %arg3: memref<1024x128xf32, #tpu.memory_space<vmem>>, %arg4: memref<1024x1xf32, #tpu.memory_space<vmem>>, %arg5: memref<1x128xf32, #tpu.memory_space<vmem>>, %arg6: memref<128x128xf32, #tpu.memory_space<vmem>>, %arg7: memref<1024x128xf32, #tpu.memory_space<vmem>>, %arg8: memref<1024x128xf32, #tpu.memory_space<vmem>>) attributes {dimension_semantics = [#tpu.dimension_semantics<arbitrary>], iteration_bounds = array<i64: 10>, scalar_prefetch = 0 : i64, scratch_operands = 0 : i64, tpu.core_type = #tpu.core_type<tc>, window_params = [{transform_indices = @transform_0, window_bounds = array<i64: 1024, 128>}, {transform_indices = @transform_1, window_bounds = array<i64: 1024, 128>}, {transform_indices = @transform_2, window_bounds = array<i64: 1024, 128>}, {transform_indices = @transform_3, window_bounds = array<i64: 1024, 1>}, {pipeline_mode = #tpu.pipeline_mode<synchronous>, transform_indices = @transform_4, window_bounds = array<i64: 1, 128>}, {pipeline_mode = #tpu.pipeline_mode<synchronous>, transform_indices = @transform_5, window_bounds = array<i64: 128, 128>}, {transform_indices = @transform_6, window_bounds = array<i64: 1024, 128>}, {transform_indices = @transform_7, window_bounds = array<i64: 1024, 128>}]} {
    %get3A = arith.constant 0 : index
    %get3A_0 = arith.constant 0 : index
    %get3A_1 = vector.load %arg4[%get3A, %get3A_0] : memref<1024x1xf32, #tpu.memory_space<vmem>>, vector<1024x1xf32>
    %get3A_2 = arith.constant 0 : index
    %get3A_3 = arith.constant 0 : index
    %get3A_4 = vector.load %arg1[%get3A_2, %get3A_3] : memref<1024x128xf32, #tpu.memory_space<vmem>>, vector<1024x128xf32>
    %get3A_5 = arith.constant 0 : index
    %get3A_6 = arith.constant 0 : index
    %get3A_7 = vector.load %arg2[%get3A_5, %get3A_6] : memref<1024x128xf32, #tpu.memory_space<vmem>>, vector<1024x128xf32>
    %add3A = arith.addf %get3A_4, %get3A_7 : vector<1024x128xf32>
    %mul3A = vector.broadcast %get3A_1 : vector<1024x1xf32> to vector<1024x128xf32>
    %mul3A_8 = arith.mulf %mul3A, %add3A : vector<1024x128xf32>
    %mul3A_9 = arith.mulf %get3A_1, %get3A_1 : vector<1024x1xf32>
    %get3A_10 = arith.constant 0 : index
    %get3A_11 = arith.constant 0 : index
    %get3A_12 = vector.load %arg3[%get3A_10, %get3A_11] : memref<1024x128xf32, #tpu.memory_space<vmem>>, vector<1024x128xf32>
    %mul3A_13 = vector.broadcast %mul3A_9 : vector<1024x1xf32> to vector<1024x128xf32>
    %mul3A_14 = arith.mulf %mul3A_13, %get3A_12 : vector<1024x128xf32>
    %add3A_15 = arith.addf %mul3A_8, %mul3A_14 : vector<1024x128xf32>
    %get3A_16 = arith.constant 0 : index
    %get3A_17 = arith.constant 0 : index
    %get3A_18 = vector.load %arg5[%get3A_16, %get3A_17] : memref<1x128xf32, #tpu.memory_space<vmem>>, vector<1x128xf32>
    %add3A_19 = vector.broadcast %get3A_18 : vector<1x128xf32> to vector<1024x128xf32>
    %add3A_20 = arith.addf %add3A_15, %add3A_19 : vector<1024x128xf32>
    %max3A = arith.constant 0.000000e+00 : f32
    %max3A_21 = vector.broadcast %max3A : f32 to vector<1024x128xf32>
    %max3A_22 = arith.maximumf %add3A_20, %max3A_21 : vector<1024x128xf32>
    %get3A_23 = arith.constant 0 : index
    %get3A_24 = arith.constant 0 : index
    %get3A_25 = vector.load %arg6[%get3A_23, %get3A_24] : memref<128x128xf32, #tpu.memory_space<vmem>>, vector<128x128xf32>
    %dot_general3A = arith.constant dense<0.000000e+00> : vector<1024x128xf32>
    %dot_general3A_26 = tpu.matmul %max3A_22, %get3A_25, %dot_general3A {dimension_numbers = #tpu.dot_dimension_numbers<[1], [0], [0], [1], [0, 0, 1, 1], [], []>, transpose_lhs_hint = false} : vector<1024x128xf32>, vector<128x128xf32>, vector<1024x128xf32> -> vector<1024x128xf32>
    %swap3A = arith.constant 0 : index
    %swap3A_27 = arith.constant 0 : index
    %swap3A_28 = vector.load %arg7[%swap3A, %swap3A_27] : memref<1024x128xf32, #tpu.memory_space<vmem>>, vector<1024x128xf32>
    tpu.vector_store %arg7[%swap3A, %swap3A_27], %dot_general3A_26 {strides = array<i32>} : memref<1024x128xf32, #tpu.memory_space<vmem>>, vector<1024x128xf32>,
    %mul3A_29 = vector.broadcast %get3A_1 : vector<1024x1xf32> to vector<1024x128xf32>
    %mul3A_30 = arith.mulf %dot_general3A_26, %mul3A_29 : vector<1024x128xf32>
    %swap3A_31 = arith.constant 0 : index
    %swap3A_32 = arith.constant 0 : index
    %swap3A_33 = vector.load %arg8[%swap3A_31, %swap3A_32] : memref<1024x128xf32, #tpu.memory_space<vmem>>, vector<1024x128xf32>
    tpu.vector_store %arg8[%swap3A_31, %swap3A_32], %mul3A_30 {strides = array<i32>} : memref<1024x128xf32, #tpu.memory_space<vmem>>, vector<1024x128xf32>,
    return
  }
  func.func @transform_0(%arg0: i32) -> (i32, i32) {
    %c0_i32 = arith.constant 0 : i32
    %c0_i32_0 = arith.constant 0 : i32
    return %arg0, %c0_i32 : i32, i32
  }
  func.func @transform_1(%arg0: i32) -> (i32, i32) {
    %add3A = arith.constant 10 : i32
    %add3A_0 = arith.addi %arg0, %add3A : i32
    %c0_i32 = arith.constant 0 : i32
    %c0_i32_1 = arith.constant 0 : i32
    return %add3A_0, %c0_i32 : i32, i32
  }
  func.func @transform_2(%arg0: i32) -> (i32, i32) {
    %c0_i32 = arith.constant 0 : i32
    %c0_i32_0 = arith.constant 0 : i32
    return %arg0, %c0_i32 : i32, i32
  }
  func.func @transform_3(%arg0: i32) -> (i32, i32) {
    %c0_i32 = arith.constant 0 : i32
    %c0_i32_0 = arith.constant 0 : i32
    return %arg0, %c0_i32 : i32, i32
  }
  func.func @transform_4(%arg0: i32) -> (i32, i32) {
    %c0_i32 = arith.constant 0 : i32
    %c0_i32_0 = arith.constant 0 : i32
    %c0_i32_1 = arith.constant 0 : i32
    return %c0_i32, %c0_i32_0 : i32, i32
  }
  func.func @transform_5(%arg0: i32) -> (i32, i32) {
    %c0_i32 = arith.constant 0 : i32
    %c0_i32_0 = arith.constant 0 : i32
    %c0_i32_1 = arith.constant 0 : i32
    return %c0_i32, %c0_i32_0 : i32, i32
  }
  func.func @transform_6(%arg0: i32) -> (i32, i32) {
    %c0_i32 = arith.constant 0 : i32
    %c0_i32_0 = arith.constant 0 : i32
    return %arg0, %c0_i32 : i32, i32
  }
  func.func @transform_7(%arg0: i32) -> (i32, i32) {
    %c0_i32 = arith.constant 0 : i32
    %c0_i32_0 = arith.constant 0 : i32
    return %arg0, %c0_i32 : i32, i32
  }
}

module attributes {stable_mosaic.version = 14 : i64} {
  func.func @_tc3_body(%arg0: i32, %arg1: memref<1024x128xf32, #tpu.memory_space<vmem>>, %arg2: memref<1024x128xf32, #tpu.memory_space<vmem>>, %arg3: memref<1024x128xf32, #tpu.memory_space<vmem>>, %arg4: memref<1024x1xf32, #tpu.memory_space<vmem>>, %arg5: memref<1x128xf32, #tpu.memory_space<vmem>>, %arg6: memref<1024x128xf32, #tpu.memory_space<vmem>>) attributes {dimension_semantics = [#tpu.dimension_semantics<arbitrary>], iteration_bounds = array<i64: 10>, scalar_prefetch = 0 : i64, scratch_operands = 0 : i64, tpu.core_type = #tpu.core_type<tc>, window_params = [{transform_indices = @transform_0, window_bounds = array<i64: 1024, 128>}, {transform_indices = @transform_1, window_bounds = array<i64: 1024, 128>}, {transform_indices = @transform_2, window_bounds = array<i64: 1024, 128>}, {transform_indices = @transform_3, window_bounds = array<i64: 1024, 1>}, {pipeline_mode = #tpu.pipeline_mode<synchronous>, transform_indices = @transform_4, window_bounds = array<i64: 1, 128>}, {transform_indices = @transform_5, window_bounds = array<i64: 1024, 128>}]} {
    %get3A = arith.constant 0 : index
    %get3A_0 = arith.constant 0 : index
    %get3A_1 = vector.load %arg4[%get3A, %get3A_0] : memref<1024x1xf32, #tpu.memory_space<vmem>>, vector<1024x1xf32>
    %get3A_2 = arith.constant 0 : index
    %get3A_3 = arith.constant 0 : index
    %get3A_4 = vector.load %arg1[%get3A_2, %get3A_3] : memref<1024x128xf32, #tpu.memory_space<vmem>>, vector<1024x128xf32>
    %get3A_5 = arith.constant 0 : index
    %get3A_6 = arith.constant 0 : index
    %get3A_7 = vector.load %arg2[%get3A_5, %get3A_6] : memref<1024x128xf32, #tpu.memory_space<vmem>>, vector<1024x128xf32>
    %add3A = arith.addf %get3A_4, %get3A_7 : vector<1024x128xf32>
    %mul3A = vector.broadcast %get3A_1 : vector<1024x1xf32> to vector<1024x128xf32>
    %mul3A_8 = arith.mulf %mul3A, %add3A : vector<1024x128xf32>
    %mul3A_9 = arith.mulf %get3A_1, %get3A_1 : vector<1024x1xf32>
    %get3A_10 = arith.constant 0 : index
    %get3A_11 = arith.constant 0 : index
    %get3A_12 = vector.load %arg3[%get3A_10, %get3A_11] : memref<1024x128xf32, #tpu.memory_space<vmem>>, vector<1024x128xf32>
    %mul3A_13 = vector.broadcast %mul3A_9 : vector<1024x1xf32> to vector<1024x128xf32>
    %mul3A_14 = arith.mulf %mul3A_13, %get3A_12 : vector<1024x128xf32>
    %add3A_15 = arith.addf %mul3A_8, %mul3A_14 : vector<1024x128xf32>
    %get3A_16 = arith.constant 0 : index
    %get3A_17 = arith.constant 0 : index
    %get3A_18 = vector.load %arg5[%get3A_16, %get3A_17] : memref<1x128xf32, #tpu.memory_space<vmem>>, vector<1x128xf32>
    %add3A_19 = vector.broadcast %get3A_18 : vector<1x128xf32> to vector<1024x128xf32>
    %add3A_20 = arith.addf %add3A_15, %add3A_19 : vector<1024x128xf32>
    %swap3A = arith.constant 0 : index
    %swap3A_21 = arith.constant 0 : index
    %swap3A_22 = vector.load %arg6[%swap3A, %swap3A_21] : memref<1024x128xf32, #tpu.memory_space<vmem>>, vector<1024x128xf32>
    tpu.vector_store %arg6[%swap3A, %swap3A_21], %add3A_20 {strides = array<i32>} : memref<1024x128xf32, #tpu.memory_space<vmem>>, vector<1024x128xf32>,
    return
  }
  func.func @transform_0(%arg0: i32) -> (i32, i32) {
    %c0_i32 = arith.constant 0 : i32
    %c0_i32_0 = arith.constant 0 : i32
    return %arg0, %c0_i32 : i32, i32
  }
  func.func @transform_1(%arg0: i32) -> (i32, i32) {
    %add3A = arith.constant 10 : i32
    %add3A_0 = arith.addi %arg0, %add3A : i32
    %c0_i32 = arith.constant 0 : i32
    %c0_i32_1 = arith.constant 0 : i32
    return %add3A_0, %c0_i32 : i32, i32
  }
  func.func @transform_2(%arg0: i32) -> (i32, i32) {
    %c0_i32 = arith.constant 0 : i32
    %c0_i32_0 = arith.constant 0 : i32
    return %arg0, %c0_i32 : i32, i32
  }
  func.func @transform_3(%arg0: i32) -> (i32, i32) {
    %c0_i32 = arith.constant 0 : i32
    %c0_i32_0 = arith.constant 0 : i32
    return %arg0, %c0_i32 : i32, i32
  }
  func.func @transform_4(%arg0: i32) -> (i32, i32) {
    %c0_i32 = arith.constant 0 : i32
    %c0_i32_0 = arith.constant 0 : i32
    %c0_i32_1 = arith.constant 0 : i32
    return %c0_i32, %c0_i32_0 : i32, i32
  }
  func.func @transform_5(%arg0: i32) -> (i32, i32) {
    %c0_i32 = arith.constant 0 : i32
    %c0_i32_0 = arith.constant 0 : i32
    return %arg0, %c0_i32 : i32, i32
  }
}

</mosaic_0001>

<sc_bundles>
// kernel: kernel.12.cloned.1.call-start
scs
__scs_entry_jumppad:
0x0: {  	(pc) =	sbr.rel $0x88, $3  }
0x1: {  	(tag) =	ssettag $0x0;
	lr =	simm.s32 $0x1  }
0x2: {  	[smem:$0x3F9B] =	sst lr;
	_ =	strace $0xD0000000  }
0x3: {  	_ = 	snop  }
0x4: {  	_ = 	snop  }
0x5: {  	_ = 	snop  }
0x6: {  	_ = 	snop  }
0x7: {  	_ = 	snop  }
__scs_overlays_trampoline_lowered:
0x8: {  	[smem:$0x3FAA] =	sst s0  }
0x9: {  	[smem:$0x3FAB] =	sst s1  }
0xa: {  	[smem:$0x3FAC] =	sst s2  }
0xb: {  	[smem:$0x3FAD] =	sst s3  }
0xc: {  	[smem:$0x3FAE] =	sst s4  }
0xd: {  	[smem:$0x3FAF] =	sst s5  }
0xe: {  	[smem:$0x3FB0] =	sst s6  }
0xf: {  	[smem:$0x3FB1] =	sst s7  }
0x10: {  	[smem:$0x3FB2] =	sst s8  }
0x11: {  	[smem:$0x3FB3] =	sst s9;
	s0 =	simm.s32 @!p0 $0x0  }
0x12: {  	s1 =	sld [smem:$0x3F99];
	s0 =	simm.s32 @p0 $0x1  }
0x13: {  	[smem:$0x3FB4] =	sst s0;
	s0 =	simm.s32 @!p1 $0x0  }
0x14: {  	s2 =	sld [smem:$0x3F98];
	s0 =	simm.s32 @p1 $0x1  }
0x15: {  	[smem:$0x3FB5] =	sst s0;
	s0 =	simm.s32 @!p2 $0x0  }
0x16: {  	s3 =	sld [smem:$0x3FDB];
	s0 =	simm.s32 @p2 $0x1  }
0x17: {  	s4 =	simm.s32 $0x1BF5;
	[smem:$0x3FB7] =	sst s0  }
0x18: {  	s0 =	sld [smem:$0x3F9A];
	_ =	swait.ge [sflag:s4], $0x0  }
0x19: {  	s7 =	sld [smem:$0x3F9B]  }
0x1a: {  	s8 =	sadd.s32 $0xFFFFE003, lr  }
0x1b: {  	s9 =	sadd.s32 $0xFFFFFEF7, lr;
	s5 =	simm.s32 $0xFFFFFFFF;
	p2 =	slt.u32 s8, $0xFFFFF086  }
0x1c: {  	p1 =	slt.u32 s9, $0xF7A;
	s5 =	simm.s32 @!p2 $0x0  }
0x1d: {  	s5 =	simm.s32 @p1 $0x1;
	p0 =	seq.s32 s7, s2  }
0x1e: {  	s7 =	smul.u32 @!p0 $0xF7A, s2;
	p2 =	seq.s32 @!p0 s5, $0x0  }
0x1f: {  	s9 =	smul.u32 $0xF7A, s1;
	s8 =	simm.s32 @!p0 $0x1BF5;
	p2 =	por !p2, p0  }
0x20: {  	[sflag:s8] =	ssyncset.s32 @!p0 $0xFFFFF086;
	s6 =	sadd.s32 @!p0 s3, s7;
	s7 =	simm.s32 @!p0 $0x108  }
0x21: {  	s3 =	sadd.s32 s3, s9;
	s6 =	sadd.s32 @!p0 $0x88, s6;
	s7 =	simm.s32 @p2 $0x1082  }
0x22: {  	[simem:s7], [sflag:s8] =	dma.local @!p0 [hbm:s6], $0xF7A  }
0x23: {  	s9 =	sor.u32 $0xD0000000, s2;
	s6 =	simm.s32 $0x108;
	_ =	swait.ge @!p0 [sflag:s8], $0x0  }
0x24: {  	s3 =	sadd.s32 $0x88, s3;
	s6 =	simm.s32 @!p1 $0x1082;
	[sflag:s4] =	ssyncset.s32 $0xFFFFF086  }
0x25: {  	[simem:s6], [sflag:s4] =	dma.local [hbm:s3], $0xF7A  }
0x26: {  	[smem:$0x3F9B] =	sst s1;
	(tag) =	ssettag s2;
	_ =	strace s9  }
0x27: {  	s1 =	sld [smem:$0x3FAB]  }
0x28: {  	s2 =	sld [smem:$0x3FAC]  }
0x29: {  	s4 =	sld [smem:$0x3FAE]  }
0x2a: {  	p0 =	seq.s32 s5, $0x0;
	s5 =	sld [smem:$0x3FAF]  }
0x2b: {  	s6 =	sld [smem:$0x3FB0]  }
0x2c: {  	s7 =	sld [smem:$0x3FB1]  }
0x2d: {  	s3 =	simm.s32 $0x108;
	s8 =	sld [smem:$0x3FB2]  }
0x2e: {  	s3 =	simm.s32 @!p0 $0x1082;
	s9 =	sld [smem:$0x3FB3]  }
0x2f: {  	lr =	sadd.s32 s0, s3;
	s0 =	sld [smem:$0x3FAA]  }
0x30: {  	s3 =	sld [smem:$0x3FAD]  }
0x31: {  	[smem:$0x3FB6] =	sst s10  }
0x32: {  	s10 =	sld [smem:$0x3FB4];
	_ =	sdelay $0x3  }
0x33: {  	p0 =	seq.s32 s10, $0x1;
	s10 =	sld [smem:$0x3FB6];
	_ =	sdelay $0x3  }
0x34: {  	[smem:$0x3FB6] =	sst s10  }
0x35: {  	s10 =	sld [smem:$0x3FB5];
	_ =	sdelay $0x3  }
0x36: {  	p1 =	seq.s32 s10, $0x1;
	s10 =	sld [smem:$0x3FB6];
	_ =	sdelay $0x3  }
0x37: {  	[smem:$0x3FB6] =	sst s10  }
0x38: {  	s10 =	sld [smem:$0x3FB7]  }
0x39: {  	_ = 	snop;
	(pc) =	sbr.ind lr, $3  }
0x3a: {  	_ = 	snop  }
0x3b: {  	_ = 	snop  }
0x3c: {  	p2 =	seq.s32 s10, $0x1;
	s10 =	sld [smem:$0x3FB6]  }
0x3d: {  	_ =	shalt  }
0x3e: {  	_ =	shalt  }
0x3f: {  	_ =	shalt  }
0x40: {  	_ =	shalt  }
0x41: {  	_ =	shalt  }
0x42: {  	_ =	shalt  }
0x43: {  	_ =	shalt  }
0x44: {  	_ =	shalt  }
0x45: {  	_ =	shalt  }
0x46: {  	_ =	shalt  }
0x47: {  	_ =	shalt  }
0x48: {  	_ =	shalt  }
0x49: {  	_ =	shalt  }
0x4a: {  	_ =	shalt  }
0x4b: {  	_ =	shalt  }
0x4c: {  	_ =	shalt  }
0x4d: {  	_ =	shalt  }
0x4e: {  	_ =	shalt  }
0x4f: {  	_ =	shalt  }
0x50: {  	_ =	shalt  }
0x51: {  	_ =	shalt  }
0x52: {  	_ =	shalt  }
0x53: {  	_ =	shalt  }
0x54: {  	_ =	shalt  }
0x55: {  	_ =	shalt  }
0x56: {  	_ =	shalt  }
0x57: {  	_ =	shalt  }
0x58: {  	_ =	shalt  }
0x59: {  	_ =	shalt  }
0x5a: {  	_ =	shalt  }
0x5b: {  	_ =	shalt  }
0x5c: {  	_ =	shalt  }
0x5d: {  	_ =	shalt  }
0x5e: {  	_ =	shalt  }
0x5f: {  	_ =	shalt  }
0x60: {  	_ =	shalt  }
0x61: {  	_ =	shalt  }
0x62: {  	_ =	shalt  }
0x63: {  	_ =	shalt  }
0x64: {  	_ =	shalt  }
0x65: {  	_ =	shalt  }
0x66: {  	_ =	shalt  }
0x67: {  	_ =	shalt  }
0x68: {  	_ =	shalt  }
0x69: {  	_ =	shalt  }
0x6a: {  	_ =	shalt  }
0x6b: {  	_ =	shalt  }
0x6c: {  	_ =	shalt  }
0x6d: {  	_ =	shalt  }
0x6e: {  	_ =	shalt  }
0x6f: {  	_ =	shalt  }
0x70: {  	_ =	shalt  }
0x71: {  	_ =	shalt  }
0x72: {  	_ =	shalt  }
0x73: {  	_ =	shalt  }
0x74: {  	_ =	shalt  }
0x75: {  	_ =	shalt  }
0x76: {  	_ =	shalt  }
0x77: {  	_ =	shalt  }
0x78: {  	_ =	shalt  }
0x79: {  	_ =	shalt  }
0x7a: {  	_ =	shalt  }
0x7b: {  	_ =	shalt  }
0x7c: {  	_ =	shalt  }
0x7d: {  	_ =	shalt  }
0x7e: {  	_ =	shalt  }
0x7f: {  	_ =	shalt  }
0x80: {  	_ =	shalt  }
0x81: {  	_ =	shalt  }
0x82: {  	_ =	shalt  }
0x83: {  	_ =	shalt  }
0x84: {  	_ =	shalt  }
0x85: {  	_ =	shalt  }
0x86: {  	_ =	shalt  }
0x87: {  	_ =	shalt  }
.Lfunc_end0:
.L_simem_size_0:
called_computation.1_lowered:
.L_overlay_start_0:
0x88: {  	s2 =	sld [smem:$0x3FD9]  }
0x89: {  	s3 =	sld [smem:$0x3FFE];
	_ =	sdelay $0x1  }
0x8a: {  	s1 =	srdreg.scid  }
0x8b: {  	s0 =	sand.u32 $0x1, s1  }
0x8c: {  	s17 =	sshll.u32 s0, $0xA;
	s2 =	sadd.s32 s3, s2  }
0x8d: {  	s2 =	sadd.s32 s2, s17  }
0x8e: {  	[smem:$0x3FC2] =	sst s2  }
0x8f: {  	_ = 	snop  }
0x90: {  	s2 =	sld [smem:$0x3FD0];
	(tm) =	ssettm $0x1  }
0x91: {  	s18 =	sld [smem:$0x3FFB];
	_ =	sdelay $0x3  }
0x92: {  	_ =	strace s18  }
0x93: {  	s3 =	sld [smem:$0x3FFC];
	_ =	sdelay $0x3  }
0x94: {  	_ =	strace s3  }
0x95: {  	s3 =	sld [smem:$0x3FFD];
	_ =	sdelay $0x3  }
0x96: {  	_ =	strace s3  }
0x97: {  	_ =	strace $0x8FFFFFFF  }
0x98: {  	s19 =	sld [smem:$0x3FDB];
	_ =	sdelay $0x1  }
0x99: {  	s4 =	simm.s32 $_scs_section_size  }
0x9a: {  	s5 =	simm.s32 $_size__tile_overlayer_lowered;
	s6 =	simm.s32 $_tile_overlayer_lowered  }
0x9b: {  	s22 =	simm.s32 $0x1BFF;
	s21 =	sshll.u32 s6, $0x1;
	s3 =	sadd.s32 s4, s19  }
0x9c: {  	s7 =	simm.s32 $0x0;
	s20 =	sshll.u32 s5, $0x1;
	s5 =	sadd.s32 s21, s3  }
0x9d: {  	[timem:s7], [sflag:s22] =	dma.local [hbm:s5], s20  }
0x9e: {  	_ =	swait.ge [sflag:s22], s20  }
0x9f: {  	s4 =	ssub.s32 $0x0, s20;
	[sflag:s22] =	ssyncset.done $0x0  }
0xa0: {  	[sflag:s22] =	ssyncadd.s32 s4;
	_ =	sdelay $0x1  }
0xa1: {  	s23 =	simm.s32 $0x1B8B  }
0xa2: {  	_ =	swait.ge [sflag:s23], $0x1  }
0xa3: {  	[sflag:s23] =	ssyncset.done $0x0  }
0xa4: {  	s25 =	simm.s32 $0x1B8E;
	s24 =	sld [smem:$0x3FFE];
	[sflag:s23] =	ssyncadd.s32 $0xFFFFFFFF  }
0xa5: {  	s26 =	simm.s32 $execute0_lowered;
	[smem:$0x3FD2] =	sst s25  }
0xa6: {  	s5 =	sshll.u32 s26, $0x1;
	_ =	strace $0x80000049;
	[dreg:$0x1] =	wrdreg $0xFFFFFFFF  }
0xa7: {  	s28 =	simm.s32 $_size_execute0_lowered;
	s3 =	sadd.s32 s3, s5;
	[dreg:$0x0] =	wrdreg $0x0  }
0xa8: {  	s5 =	sshll.u32 s28, $0x1;
	[dreg:$0x2] =	wrdreg s3  }
0xa9: {  	[dreg:$0x3] =	wrdreg s5  }
0xaa: {  	[dreg:$0x4] =	wrdreg $0xC0  }
0xab: {  	_ =	task [dreg:s7], $0x5FFFF  }
0xac: {  	[dreg:$0x1] =	wrdreg $0xFFFFFFFF  }
0xad: {  	[dreg:$0x0] =	wrdreg $0x60  }
0xae: {  	[dreg:$0x2] =	wrdreg s24  }
0xaf: {  	[dreg:$0x3] =	wrdreg s2  }
0xb0: {  	[dreg:$0x4] =	wrdreg $0x90000  }
0xb1: {  	[dreg:$0x5] =	wrdreg $0x9  }
0xb2: {  	_ =	task.clear_ibuf [dreg:s7], $0x6FFFF;
	_ =	strace $0x90000049  }
0xb3: {  	s29 =	simm.s32 $0x9;
	_ =	strace $0x8000004B  }
0xb4: {  	_ =	swait.ge [sflag:s29], $0x1  }
0xb5: {  	[sflag:s29] =	ssyncadd.s32 $0xFFFFFFFF  }
0xb6: {  	_ =	strace $0x9000004B  }
0xb7: {  	_ =	sfence  }
0xb8: {  	s30 =	sld [smem:$0x0];
	_ =	sdelay $0x2  }
0xb9: {  	s31 =	sshll.u32 s1, $0xD;
	s1 =	sshrl.u32 s1, $0x2  }
0xba: {  	s3 =	sand.u32 $0x4000, s31;
	s1 =	sadd.s32 s1, s30  }
0xbb: {  	s0 =	sor.u32 s3, s0;
	s1 =	sshll.u32 s1, $0x11  }
0xbc: {  	s0 =	sor.u32 s1, s0  }
0xbd: {  	s0 =	sadd.s32 $0x8F2B, s0  }
0xbe: {  	[sflag:s0] =	ssyncadd.remote.s32 $0x1  }
0xbf: {  	_ =	sfence.sel $0xFFFF  }
0xc0: {  	[dreg:$0x0] =	wrdreg $0xFFFFFFFF;
	(pc) =	sbr.abs _section_cstart, $3  }
0xc1: {  	[dreg:$0x1] =	wrdreg $0xFFFFFFFF  }
0xc2: {  	_ =	task.clear_ibuf [dreg:s7], $0x2FFFF;
	_ =	strace $0x9FFFFFFF  }
0xc3: {  	(tm) =	ssettm $0x7FFFFFFF  }
tec
execute0_lowered:
.L_overlay_start_1:
0x0: {  	(tag) =	ssettag $0x1  }
0x1: {  	s5 =	rddreg [dreg:$0x0]  }
0x2: {  	s7 =	rddreg [dreg:$0x1]  }
0x3: {  	s0 =	srdreg.scid;
	s2 =	rddreg [dreg:$0x2]  }
0x4: {  	s3 =	simm.s32 $0x0;
	s6 =	sand.u32 $0x1, s0;
	s0 =	stileid.u32  }
0x5: {  	s16 =	simm.s32 $0x1;
	s17 =	simm.s32 $0x0;
	s9 =	smul.u32 $0x2800, s0  }
0x6: {  	[smem:$0x7FF] =	sst s3;
	s1 =	sshll.u32 s6, $0x4;
	s10 =	smul.u32 $0x28000, s6  }
0x7: {  	s6 =	ssub.s32 $0x2, s6;
	s12 =	smul.u32 $0x50000, s0;
	s14 =	sshll.u32 s0, $0x6  }
0x8: {  	s4 =	sor.u32 s0, s1;
	s1 =	rddreg [dreg:$0x3];
	_ =	strace $0x8000004A  }
0x9: {  	s31 =	sshrl.u32 s6, $0x1;
	s14 =	sor.u32 $0x1C02, s14;
	s8 =	smul.u32 $0x500, s4  }
0xa: {  	s4 =	sadd.s32 $0x29C00, s5;
	s13 =	sadd.s32 s9, s5;
	s9 =	sadd.s32 s9, s10  }
0xb: {  	s10 =	ssub.s32 s6, s31;
	s12 =	sshrl.u32 s12, $0x2;
	s9 =	sadd.s32 s9, s5  }
0xc: {  	s15 =	sadd.s32 s12, s2;
	s12 =	simm.s32 $0x7D;
	s11 =	sadd.s32 s8, s5  }
0xd: {  	s6 =	sadd.s32 s7, s8;
	s7 =	sadd.s32 $0x1C00, s13;
	s8 =	sadd.s32 $0x83C00, s9  }
0xe: {  	s9 =	smax.u32 s10, $0x1;
	s10 =	simm.s32 $0x2;
	s13 =	simm.s32 $0x5000  }
0xf: {  	s15 =	sshrl.u32 s15, $0x3;
	s5 =	sadd.s32 $0x79C00, s11;
	s11 =	simm.s32 $0x2800  }
.LBB2_1:
0x10: {  	[tilespmem:s3], [sflag:$0x2] =	stream.linear.gather [hbm4b:s5+s3], $0x2800, $0x38;
	[tilespmem:$0x1D000] =	vst v63  }
0x11: {  	_ =	swait.ge [sflag:s10], $0x2800  }
0x12: {  	[sflag:s10] =	ssyncset.done $0x0  }
0x13: {  	[sflag:s10] =	ssyncadd.s32 $0xFFFFD800  }
0x14: {  	[tilespmem:s11], [sflag:$0x2] =	stream.linear.gather [hbm4b:s6+s3], $0x2800, $0x38;
	[tilespmem:$0x1D000] =	vst v63  }
0x15: {  	_ =	swait.ge [sflag:s10], $0x2800  }
0x16: {  	[sflag:s10] =	ssyncset.done $0x0  }
0x17: {  	[sflag:s10] =	ssyncadd.s32 $0xFFFFD800  }
0x18: {  	[tilespmem:s13], [sflag:$0x1] =	stream.indirect.gather [hbm4b:s4+s12], $0x80, s3, s12, $0xb8;
	[tilespmem:$0x1D000] =	vst v63  }
0x19: {  	[spmem:s15], [sflag:s14] =	dma.local [hbm:s7], $0x2800  }
0x1a: {  	_ =	swait.ge [sflag:s10], $0x2800  }
0x1b: {  	[sflag:s10] =	ssyncset.done $0x0  }
0x1c: {  	[sflag:s10] =	ssyncadd.s32 $0xFFFFD800  }
0x1d: {  	[bflag:$0x0] =	sbarrier.arrive $0xFFFF  }
0x1e: {  	_ =	swait.ge [sflag:s16], $0x3E80  }
0x1f: {  	[sflag:s16] =	ssyncset.done $0x0  }
0x20: {  	[sflag:s16] =	ssyncadd.s32 $0xFFFFC180  }
0x21: {  	[spmem:s2] =	stream.indirect.scatter.add.f32 [tilespmem:s13], [sflag:$0x2], $0x80, s11, s12, $0xb8;
	[tilespmem:$0x1D000] =	vst v63  }
0x22: {  	_ =	swait.ge [sflag:s10], $0x3E80  }
0x23: {  	[sflag:s10] =	ssyncset.done $0x0  }
0x24: {  	s18 =	simm.s32 $0x80;
	[sflag:s10] =	ssyncadd.s32 $0xFFFFC180  }
0x25: {  	[tilespmem:s13], [sflag:$0x1] =	stream.indirect.gather [hbm4b:s4+s12], $0x80, s18, s12, $0xb8;
	[tilespmem:$0x1D000] =	vst v63  }
0x26: {  	_ =	swait.ge [sflag:s16], $0x3E80  }
0x27: {  	[sflag:s16] =	ssyncset.done $0x0  }
0x28: {  	s31 =	simm.s32 $0x2880;
	[sflag:s16] =	ssyncadd.s32 $0xFFFFC180  }
0x29: {  	[spmem:s2] =	stream.indirect.scatter.add.f32 [tilespmem:s13], [sflag:$0x2], $0x80, s31, s12, $0xb8;
	[tilespmem:$0x1D000] =	vst v63  }
0x2a: {  	_ =	swait.ge [sflag:s10], $0x3E80  }
0x2b: {  	s19 =	simm.s32 $0x600;
	s18 =	simm.s32 $0x400;
	[sflag:s10] =	ssyncset.done $0x0  }
.LBB2_2:
0x2c: {  	s20 =	sshra.s32 s18, $0x2  }
0x2d: {  	[sflag:s10] =	ssyncadd.s32 $0xFFFFC180;
	s18 =	smov.u32 s19;
	s21 =	sadd.s32 $0x200, s19  }
0x2e: {  	[tilespmem:s13], [sflag:$0x1] =	stream.indirect.gather [hbm4b:s4+s12], $0x80, s20, s12, $0xb8;
	[tilespmem:$0x1D000] =	vst v63  }
0x2f: {  	p0 =	sne.s32 s19, $0x9E00;
	_ =	swait.ge [sflag:s16], $0x3E80  }
.Ltmp0:
0x30: {  	[sflag:s16] =	ssyncset.done $0x0;
	(pc) =	sbr.rel @p0 .LBB2_2-.Ltmp0, $4  }
0x31: {  	s19 =	sadd.s32 $0x2800, s20;
	[sflag:s16] =	ssyncadd.s32 $0xFFFFC180  }
0x32: {  	[spmem:s2] =	stream.indirect.scatter.add.f32 [tilespmem:s13], [sflag:$0x2], $0x80, s19, s12, $0xb8;
	[tilespmem:$0x1D000] =	vst v63  }
0x33: {  	_ =	swait.ge [sflag:s10], $0x3E80  }
0x34: {  	s19 =	smov.u32 s21;
	[sflag:s10] =	ssyncset.done $0x0  }
0x35: {  	s18 =	sshra.s32 s18, $0x2;
	[sflag:s10] =	ssyncadd.s32 $0xFFFFC180  }
0x36: {  	[tilespmem:s13], [sflag:$0x1] =	stream.indirect.gather [hbm4b:s4+s12], $0x80, s18, s12, $0xb8;
	[tilespmem:$0x1D000] =	vst v63  }
0x37: {  	_ =	swait.ge [sflag:s16], $0x3E80  }
0x38: {  	[sflag:s16] =	ssyncset.done $0x0  }
0x39: {  	s18 =	sadd.s32 $0x2800, s18;
	[sflag:s16] =	ssyncadd.s32 $0xFFFFC180  }
0x3a: {  	[spmem:s2] =	stream.indirect.scatter.add.f32 [tilespmem:s13], [sflag:$0x2], $0x80, s18, s12, $0xb8;
	[tilespmem:$0x1D000] =	vst v63  }
0x3b: {  	_ =	swait.ge [sflag:s10], $0x3E80  }
0x3c: {  	s17 =	sadd.s32 $0x1, s17;
	[sflag:s10] =	ssyncset.done $0x0  }
0x3d: {  	p0 =	sne.s32 s17, s9;
	[sflag:s10] =	ssyncadd.s32 $0xFFFFC180  }
.Ltmp1:
0x3e: {  	[bflag:$0x0] =	sbarrier.arrive $0xFFFF;
	(pc) =	sbr.rel @p0 .LBB2_1-.Ltmp1, $4  }
0x3f: {  	[hbm:s8], [sflag:s14] =	dma.local [spmem:s15], $0x2800  }
0x40: {  	_ =	swait.ge [sflag:s10], $0x2800  }
0x41: {  	[sflag:s10] =	ssyncset.done $0x0  }
0x42: {  	[sflag:s10] =	ssyncadd.s32 $0xFFFFD800  }
0x43: {  	_ =	sfence.sel $0x180000  }
0x44: {  	[bflag:$0x0] =	sbarrier.arrive $0xFFFF  }
0x45: {  	p0 =	sne.s32 s0, $0x0;
	_ =	strace $0x9000004A  }
0x46: {  	s0 =	sadd.s32 @!p0 $0x100000, s1;
	[bflag:$0x2] =	sbarrier.arrive $0xFFFF  }
0x47: {  	[sflag:s0] =	ssyncadd.tile.s32 @!p0 $0x1;
	_ =	shalt  }
.Lfunc_end2:
_tile_overlayer_lowered:
.L_overlay_start_2:
0x48: {  	(tag) =	ssettag $0x2  }
0x49: {  	s0 =	rddreg [dreg:$0x0];
	s2 =	stileid.u32  }
0x4a: {  	s1 =	rddreg [dreg:$0x1];
	p0 =	sne.s32 s2, $0x0  }
0x4b: {  	s3 =	rddreg [dreg:$0x2];
	[bflag:$0x3] =	sbarrier.arrive $0xFFFF;
	s2 =	simm.s32 @!p0 $0x1C02  }
0x4c: {  	[timem:s3], [sflag:s2] =	dma.local @!p0 [hbm:s0], s1  }
0x4d: {  	s0 =	simm.s32 @!p0 $0x2  }
0x4e: {  	_ =	swait.ge @!p0 [sflag:s0], s1  }
0x4f: {  	s1 =	ssub.s32 @!p0 $0x0, s1;
	[sflag:s0] =	ssyncset.done @!p0 $0x0  }
0x50: {  	[sflag:s0] =	ssyncadd.s32 @!p0 s1  }
0x51: {  	[bflag:$0x3] =	sbarrier.arrive $0xFFFF  }
0x52: {  	_ =	shalt  }

// kernel: kernel.15.cloned.1.call-start
scs
__scs_entry_jumppad:
0x0: {  	(pc) =	sbr.rel $0x88, $3  }
0x1: {  	(tag) =	ssettag $0x0;
	lr =	simm.s32 $0x1  }
0x2: {  	[smem:$0x3F9B] =	sst lr;
	_ =	strace $0xD0000000  }
0x3: {  	_ = 	snop  }
0x4: {  	_ = 	snop  }
0x5: {  	_ = 	snop  }
0x6: {  	_ = 	snop  }
0x7: {  	_ = 	snop  }
__scs_overlays_trampoline_lowered:
0x8: {  	[smem:$0x3FAA] =	sst s0  }
0x9: {  	[smem:$0x3FAB] =	sst s1  }
0xa: {  	[smem:$0x3FAC] =	sst s2  }
0xb: {  	[smem:$0x3FAD] =	sst s3  }
0xc: {  	[smem:$0x3FAE] =	sst s4  }
0xd: {  	[smem:$0x3FAF] =	sst s5  }
0xe: {  	[smem:$0x3FB0] =	sst s6  }
0xf: {  	[smem:$0x3FB1] =	sst s7  }
0x10: {  	[smem:$0x3FB2] =	sst s8  }
0x11: {  	[smem:$0x3FB3] =	sst s9;
	s0 =	simm.s32 @!p0 $0x0  }
0x12: {  	s1 =	sld [smem:$0x3F99];
	s0 =	simm.s32 @p0 $0x1  }
0x13: {  	[smem:$0x3FB4] =	sst s0;
	s0 =	simm.s32 @!p1 $0x0  }
0x14: {  	s2 =	sld [smem:$0x3F98];
	s0 =	simm.s32 @p1 $0x1  }
0x15: {  	[smem:$0x3FB5] =	sst s0;
	s0 =	simm.s32 @!p2 $0x0  }
0x16: {  	s3 =	sld [smem:$0x3FDB];
	s0 =	simm.s32 @p2 $0x1  }
0x17: {  	s4 =	simm.s32 $0x1BF5;
	[smem:$0x3FB7] =	sst s0  }
0x18: {  	s0 =	sld [smem:$0x3F9A];
	_ =	swait.ge [sflag:s4], $0x0  }
0x19: {  	s7 =	sld [smem:$0x3F9B]  }
0x1a: {  	s8 =	sadd.s32 $0xFFFFE003, lr  }
0x1b: {  	s9 =	sadd.s32 $0xFFFFFEF7, lr;
	s5 =	simm.s32 $0xFFFFFFFF;
	p2 =	slt.u32 s8, $0xFFFFF086  }
0x1c: {  	p1 =	slt.u32 s9, $0xF7A;
	s5 =	simm.s32 @!p2 $0x0  }
0x1d: {  	s5 =	simm.s32 @p1 $0x1;
	p0 =	seq.s32 s7, s2  }
0x1e: {  	s7 =	smul.u32 @!p0 $0xF7A, s2;
	p2 =	seq.s32 @!p0 s5, $0x0  }
0x1f: {  	s9 =	smul.u32 $0xF7A, s1;
	s8 =	simm.s32 @!p0 $0x1BF5;
	p2 =	por !p2, p0  }
0x20: {  	[sflag:s8] =	ssyncset.s32 @!p0 $0xFFFFF086;
	s6 =	sadd.s32 @!p0 s3, s7;
	s7 =	simm.s32 @!p0 $0x108  }
0x21: {  	s3 =	sadd.s32 s3, s9;
	s6 =	sadd.s32 @!p0 $0x88, s6;
	s7 =	simm.s32 @p2 $0x1082  }
0x22: {  	[simem:s7], [sflag:s8] =	dma.local @!p0 [hbm:s6], $0xF7A  }
0x23: {  	s9 =	sor.u32 $0xD0000000, s2;
	s6 =	simm.s32 $0x108;
	_ =	swait.ge @!p0 [sflag:s8], $0x0  }
0x24: {  	s3 =	sadd.s32 $0x88, s3;
	s6 =	simm.s32 @!p1 $0x1082;
	[sflag:s4] =	ssyncset.s32 $0xFFFFF086  }
0x25: {  	[simem:s6], [sflag:s4] =	dma.local [hbm:s3], $0xF7A  }
0x26: {  	[smem:$0x3F9B] =	sst s1;
	(tag) =	ssettag s2;
	_ =	strace s9  }
0x27: {  	s1 =	sld [smem:$0x3FAB]  }
0x28: {  	s2 =	sld [smem:$0x3FAC]  }
0x29: {  	s4 =	sld [smem:$0x3FAE]  }
0x2a: {  	p0 =	seq.s32 s5, $0x0;
	s5 =	sld [smem:$0x3FAF]  }
0x2b: {  	s6 =	sld [smem:$0x3FB0]  }
0x2c: {  	s7 =	sld [smem:$0x3FB1]  }
0x2d: {  	s3 =	simm.s32 $0x108;
	s8 =	sld [smem:$0x3FB2]  }
0x2e: {  	s3 =	simm.s32 @!p0 $0x1082;
	s9 =	sld [smem:$0x3FB3]  }
0x2f: {  	lr =	sadd.s32 s0, s3;
	s0 =	sld [smem:$0x3FAA]  }
0x30: {  	s3 =	sld [smem:$0x3FAD]  }
0x31: {  	[smem:$0x3FB6] =	sst s10  }
0x32: {  	s10 =	sld [smem:$0x3FB4];
	_ =	sdelay $0x3  }
0x33: {  	p0 =	seq.s32 s10, $0x1;
	s10 =	sld [smem:$0x3FB6];
	_ =	sdelay $0x3  }
0x34: {  	[smem:$0x3FB6] =	sst s10  }
0x35: {  	s10 =	sld [smem:$0x3FB5];
	_ =	sdelay $0x3  }
0x36: {  	p1 =	seq.s32 s10, $0x1;
	s10 =	sld [smem:$0x3FB6];
	_ =	sdelay $0x3  }
0x37: {  	[smem:$0x3FB6] =	sst s10  }
0x38: {  	s10 =	sld [smem:$0x3FB7]  }
0x39: {  	_ = 	snop;
	(pc) =	sbr.ind lr, $3  }
0x3a: {  	_ = 	snop  }
0x3b: {  	_ = 	snop  }
0x3c: {  	p2 =	seq.s32 s10, $0x1;
	s10 =	sld [smem:$0x3FB6]  }
0x3d: {  	_ =	shalt  }
0x3e: {  	_ =	shalt  }
0x3f: {  	_ =	shalt  }
0x40: {  	_ =	shalt  }
0x41: {  	_ =	shalt  }
0x42: {  	_ =	shalt  }
0x43: {  	_ =	shalt  }
0x44: {  	_ =	shalt  }
0x45: {  	_ =	shalt  }
0x46: {  	_ =	shalt  }
0x47: {  	_ =	shalt  }
0x48: {  	_ =	shalt  }
0x49: {  	_ =	shalt  }
0x4a: {  	_ =	shalt  }
0x4b: {  	_ =	shalt  }
0x4c: {  	_ =	shalt  }
0x4d: {  	_ =	shalt  }
0x4e: {  	_ =	shalt  }
0x4f: {  	_ =	shalt  }
0x50: {  	_ =	shalt  }
0x51: {  	_ =	shalt  }
0x52: {  	_ =	shalt  }
0x53: {  	_ =	shalt  }
0x54: {  	_ =	shalt  }
0x55: {  	_ =	shalt  }
0x56: {  	_ =	shalt  }
0x57: {  	_ =	shalt  }
0x58: {  	_ =	shalt  }
0x59: {  	_ =	shalt  }
0x5a: {  	_ =	shalt  }
0x5b: {  	_ =	shalt  }
0x5c: {  	_ =	shalt  }
0x5d: {  	_ =	shalt  }
0x5e: {  	_ =	shalt  }
0x5f: {  	_ =	shalt  }
0x60: {  	_ =	shalt  }
0x61: {  	_ =	shalt  }
0x62: {  	_ =	shalt  }
0x63: {  	_ =	shalt  }
0x64: {  	_ =	shalt  }
0x65: {  	_ =	shalt  }
0x66: {  	_ =	shalt  }
0x67: {  	_ =	shalt  }
0x68: {  	_ =	shalt  }
0x69: {  	_ =	shalt  }
0x6a: {  	_ =	shalt  }
0x6b: {  	_ =	shalt  }
0x6c: {  	_ =	shalt  }
0x6d: {  	_ =	shalt  }
0x6e: {  	_ =	shalt  }
0x6f: {  	_ =	shalt  }
0x70: {  	_ =	shalt  }
0x71: {  	_ =	shalt  }
0x72: {  	_ =	shalt  }
0x73: {  	_ =	shalt  }
0x74: {  	_ =	shalt  }
0x75: {  	_ =	shalt  }
0x76: {  	_ =	shalt  }
0x77: {  	_ =	shalt  }
0x78: {  	_ =	shalt  }
0x79: {  	_ =	shalt  }
0x7a: {  	_ =	shalt  }
0x7b: {  	_ =	shalt  }
0x7c: {  	_ =	shalt  }
0x7d: {  	_ =	shalt  }
0x7e: {  	_ =	shalt  }
0x7f: {  	_ =	shalt  }
0x80: {  	_ =	shalt  }
0x81: {  	_ =	shalt  }
0x82: {  	_ =	shalt  }
0x83: {  	_ =	shalt  }
0x84: {  	_ =	shalt  }
0x85: {  	_ =	shalt  }
0x86: {  	_ =	shalt  }
0x87: {  	_ =	shalt  }
.Lfunc_end0:
.L_simem_size_0:
called_computation.2_lowered:
.L_overlay_start_0:
0x88: {  	s2 =	sld [smem:$0x3FD9]  }
0x89: {  	s3 =	sld [smem:$0x3FFE];
	_ =	sdelay $0x1  }
0x8a: {  	s1 =	srdreg.scid  }
0x8b: {  	s0 =	sand.u32 $0x1, s1  }
0x8c: {  	s17 =	sshll.u32 s0, $0xA;
	s2 =	sadd.s32 s3, s2  }
0x8d: {  	s2 =	sadd.s32 s2, s17  }
0x8e: {  	[smem:$0x3FC2] =	sst s2  }
0x8f: {  	_ = 	snop  }
0x90: {  	s2 =	sld [smem:$0x3FD0];
	(tm) =	ssettm $0x1  }
0x91: {  	s18 =	sld [smem:$0x3FFB];
	_ =	sdelay $0x3  }
0x92: {  	_ =	strace s18  }
0x93: {  	s3 =	sld [smem:$0x3FFC];
	_ =	sdelay $0x3  }
0x94: {  	_ =	strace s3  }
0x95: {  	s3 =	sld [smem:$0x3FFD];
	_ =	sdelay $0x3  }
0x96: {  	_ =	strace s3  }
0x97: {  	_ =	strace $0x8FFFFFFF  }
0x98: {  	s19 =	sld [smem:$0x3FDB];
	_ =	sdelay $0x1  }
0x99: {  	s4 =	simm.s32 $_scs_section_size  }
0x9a: {  	s5 =	simm.s32 $_size__tile_overlayer_lowered;
	s6 =	simm.s32 $_tile_overlayer_lowered  }
0x9b: {  	s22 =	simm.s32 $0x1BFF;
	s21 =	sshll.u32 s6, $0x1;
	s3 =	sadd.s32 s4, s19  }
0x9c: {  	s7 =	simm.s32 $0x0;
	s20 =	sshll.u32 s5, $0x1;
	s5 =	sadd.s32 s21, s3  }
0x9d: {  	[timem:s7], [sflag:s22] =	dma.local [hbm:s5], s20  }
0x9e: {  	_ =	swait.ge [sflag:s22], s20  }
0x9f: {  	s4 =	ssub.s32 $0x0, s20;
	[sflag:s22] =	ssyncset.done $0x0  }
0xa0: {  	[sflag:s22] =	ssyncadd.s32 s4;
	_ =	sdelay $0x1  }
0xa1: {  	s23 =	simm.s32 $0x1B8B  }
0xa2: {  	_ =	swait.ge [sflag:s23], $0x1  }
0xa3: {  	[sflag:s23] =	ssyncset.done $0x0  }
0xa4: {  	s25 =	simm.s32 $0x1B8E;
	s24 =	sld [smem:$0x3FFE];
	[sflag:s23] =	ssyncadd.s32 $0xFFFFFFFF  }
0xa5: {  	s26 =	simm.s32 $execute0_lowered;
	[smem:$0x3FD2] =	sst s25  }
0xa6: {  	s5 =	sshll.u32 s26, $0x1;
	_ =	strace $0x8000004C;
	[dreg:$0x1] =	wrdreg $0xFFFFFFFF  }
0xa7: {  	s28 =	simm.s32 $_size_execute0_lowered;
	s3 =	sadd.s32 s3, s5;
	[dreg:$0x0] =	wrdreg $0x0  }
0xa8: {  	s5 =	sshll.u32 s28, $0x1;
	[dreg:$0x2] =	wrdreg s3  }
0xa9: {  	[dreg:$0x3] =	wrdreg s5  }
0xaa: {  	[dreg:$0x4] =	wrdreg $0xC0  }
0xab: {  	_ =	task [dreg:s7], $0x5FFFF  }
0xac: {  	[dreg:$0x1] =	wrdreg $0xFFFFFFFF  }
0xad: {  	[dreg:$0x0] =	wrdreg $0x60  }
0xae: {  	[dreg:$0x2] =	wrdreg s24  }
0xaf: {  	[dreg:$0x3] =	wrdreg s2  }
0xb0: {  	[dreg:$0x4] =	wrdreg $0x90000  }
0xb1: {  	[dreg:$0x5] =	wrdreg $0x9  }
0xb2: {  	_ =	task.clear_ibuf [dreg:s7], $0x6FFFF;
	_ =	strace $0x9000004C  }
0xb3: {  	s29 =	simm.s32 $0x9;
	_ =	strace $0x8000004E  }
0xb4: {  	_ =	swait.ge [sflag:s29], $0x1  }
0xb5: {  	[sflag:s29] =	ssyncadd.s32 $0xFFFFFFFF  }
0xb6: {  	_ =	strace $0x9000004E  }
0xb7: {  	_ =	sfence  }
0xb8: {  	s30 =	sld [smem:$0x0];
	_ =	sdelay $0x2  }
0xb9: {  	s31 =	sshll.u32 s1, $0xD;
	s1 =	sshrl.u32 s1, $0x2  }
0xba: {  	s3 =	sand.u32 $0x4000, s31;
	s1 =	sadd.s32 s1, s30  }
0xbb: {  	s0 =	sor.u32 s3, s0;
	s1 =	sshll.u32 s1, $0x11  }
0xbc: {  	s0 =	sor.u32 s1, s0  }
0xbd: {  	s0 =	sadd.s32 $0x8F2B, s0  }
0xbe: {  	[sflag:s0] =	ssyncadd.remote.s32 $0x1  }
0xbf: {  	_ =	sfence.sel $0xFFFF  }
0xc0: {  	[dreg:$0x0] =	wrdreg $0xFFFFFFFF;
	(pc) =	sbr.abs _section_cstart, $3  }
0xc1: {  	[dreg:$0x1] =	wrdreg $0xFFFFFFFF  }
0xc2: {  	_ =	task.clear_ibuf [dreg:s7], $0x2FFFF;
	_ =	strace $0x9FFFFFFF  }
0xc3: {  	(tm) =	ssettm $0x7FFFFFFF  }
tec
execute0_lowered:
.L_overlay_start_1:
0x0: {  	(tag) =	ssettag $0x1  }
0x1: {  	s5 =	rddreg [dreg:$0x0]  }
0x2: {  	s7 =	rddreg [dreg:$0x1]  }
0x3: {  	s0 =	srdreg.scid;
	s2 =	rddreg [dreg:$0x2]  }
0x4: {  	s3 =	simm.s32 $0x0;
	s6 =	sand.u32 $0x1, s0;
	s0 =	stileid.u32  }
0x5: {  	s16 =	simm.s32 $0x1;
	s17 =	simm.s32 $0x0;
	s9 =	smul.u32 $0x2800, s0  }
0x6: {  	[smem:$0x7FF] =	sst s3;
	s1 =	sshll.u32 s6, $0x4;
	s10 =	smul.u32 $0x28000, s6  }
0x7: {  	s6 =	ssub.s32 $0x2, s6;
	s12 =	smul.u32 $0x50000, s0;
	s14 =	sshll.u32 s0, $0x6  }
0x8: {  	s4 =	sor.u32 s0, s1;
	s1 =	rddreg [dreg:$0x3];
	_ =	strace $0x8000004D  }
0x9: {  	s31 =	sshrl.u32 s6, $0x1;
	s14 =	sor.u32 $0x1C02, s14;
	s8 =	smul.u32 $0x500, s4  }
0xa: {  	s4 =	sadd.s32 $0x29C00, s5;
	s13 =	sadd.s32 s9, s5;
	s9 =	sadd.s32 s9, s10  }
0xb: {  	s10 =	ssub.s32 s6, s31;
	s12 =	sshrl.u32 s12, $0x2;
	s9 =	sadd.s32 s9, s5  }
0xc: {  	s15 =	sadd.s32 s12, s2;
	s12 =	simm.s32 $0x7D;
	s11 =	sadd.s32 s8, s5  }
0xd: {  	s6 =	sadd.s32 s7, s8;
	s7 =	sadd.s32 $0x1C00, s13;
	s8 =	sadd.s32 $0x83C00, s9  }
0xe: {  	s9 =	smax.u32 s10, $0x1;
	s10 =	simm.s32 $0x2;
	s13 =	simm.s32 $0x5000  }
0xf: {  	s15 =	sshrl.u32 s15, $0x3;
	s5 =	sadd.s32 $0x79C00, s11;
	s11 =	simm.s32 $0x2800  }
.LBB2_1:
0x10: {  	[tilespmem:s3], [sflag:$0x2] =	stream.linear.gather [hbm4b:s5+s3], $0x2800, $0x38;
	[tilespmem:$0x1D000] =	vst v63  }
0x11: {  	_ =	swait.ge [sflag:s10], $0x2800  }
0x12: {  	[sflag:s10] =	ssyncset.done $0x0  }
0x13: {  	[sflag:s10] =	ssyncadd.s32 $0xFFFFD800  }
0x14: {  	[tilespmem:s11], [sflag:$0x2] =	stream.linear.gather [hbm4b:s6+s3], $0x2800, $0x38;
	[tilespmem:$0x1D000] =	vst v63  }
0x15: {  	_ =	swait.ge [sflag:s10], $0x2800  }
0x16: {  	[sflag:s10] =	ssyncset.done $0x0  }
0x17: {  	[sflag:s10] =	ssyncadd.s32 $0xFFFFD800  }
0x18: {  	[tilespmem:s13], [sflag:$0x1] =	stream.indirect.gather [hbm4b:s4+s12], $0x80, s3, s12, $0xb8;
	[tilespmem:$0x1D000] =	vst v63  }
0x19: {  	[spmem:s15], [sflag:s14] =	dma.local [hbm:s7], $0x2800  }
0x1a: {  	_ =	swait.ge [sflag:s10], $0x2800  }
0x1b: {  	[sflag:s10] =	ssyncset.done $0x0  }
0x1c: {  	[sflag:s10] =	ssyncadd.s32 $0xFFFFD800  }
0x1d: {  	[bflag:$0x0] =	sbarrier.arrive $0xFFFF  }
0x1e: {  	_ =	swait.ge [sflag:s16], $0x3E80  }
0x1f: {  	[sflag:s16] =	ssyncset.done $0x0  }
0x20: {  	[sflag:s16] =	ssyncadd.s32 $0xFFFFC180  }
0x21: {  	[spmem:s2] =	stream.indirect.scatter.add.f32 [tilespmem:s13], [sflag:$0x2], $0x80, s11, s12, $0xb8;
	[tilespmem:$0x1D000] =	vst v63  }
0x22: {  	_ =	swait.ge [sflag:s10], $0x3E80  }
0x23: {  	[sflag:s10] =	ssyncset.done $0x0  }
0x24: {  	s18 =	simm.s32 $0x80;
	[sflag:s10] =	ssyncadd.s32 $0xFFFFC180  }
0x25: {  	[tilespmem:s13], [sflag:$0x1] =	stream.indirect.gather [hbm4b:s4+s12], $0x80, s18, s12, $0xb8;
	[tilespmem:$0x1D000] =	vst v63  }
0x26: {  	_ =	swait.ge [sflag:s16], $0x3E80  }
0x27: {  	[sflag:s16] =	ssyncset.done $0x0  }
0x28: {  	s31 =	simm.s32 $0x2880;
	[sflag:s16] =	ssyncadd.s32 $0xFFFFC180  }
0x29: {  	[spmem:s2] =	stream.indirect.scatter.add.f32 [tilespmem:s13], [sflag:$0x2], $0x80, s31, s12, $0xb8;
	[tilespmem:$0x1D000] =	vst v63  }
0x2a: {  	_ =	swait.ge [sflag:s10], $0x3E80  }
0x2b: {  	s19 =	simm.s32 $0x600;
	s18 =	simm.s32 $0x400;
	[sflag:s10] =	ssyncset.done $0x0  }
.LBB2_2:
0x2c: {  	s20 =	sshra.s32 s18, $0x2  }
0x2d: {  	[sflag:s10] =	ssyncadd.s32 $0xFFFFC180;
	s18 =	smov.u32 s19;
	s21 =	sadd.s32 $0x200, s19  }
0x2e: {  	[tilespmem:s13], [sflag:$0x1] =	stream.indirect.gather [hbm4b:s4+s12], $0x80, s20, s12, $0xb8;
	[tilespmem:$0x1D000] =	vst v63  }
0x2f: {  	p0 =	sne.s32 s19, $0x9E00;
	_ =	swait.ge [sflag:s16], $0x3E80  }
.Ltmp0:
0x30: {  	[sflag:s16] =	ssyncset.done $0x0;
	(pc) =	sbr.rel @p0 .LBB2_2-.Ltmp0, $4  }
0x31: {  	s19 =	sadd.s32 $0x2800, s20;
	[sflag:s16] =	ssyncadd.s32 $0xFFFFC180  }
0x32: {  	[spmem:s2] =	stream.indirect.scatter.add.f32 [tilespmem:s13], [sflag:$0x2], $0x80, s19, s12, $0xb8;
	[tilespmem:$0x1D000] =	vst v63  }
0x33: {  	_ =	swait.ge [sflag:s10], $0x3E80  }
0x34: {  	s19 =	smov.u32 s21;
	[sflag:s10] =	ssyncset.done $0x0  }
0x35: {  	s18 =	sshra.s32 s18, $0x2;
	[sflag:s10] =	ssyncadd.s32 $0xFFFFC180  }
0x36: {  	[tilespmem:s13], [sflag:$0x1] =	stream.indirect.gather [hbm4b:s4+s12], $0x80, s18, s12, $0xb8;
	[tilespmem:$0x1D000] =	vst v63  }
0x37: {  	_ =	swait.ge [sflag:s16], $0x3E80  }
0x38: {  	[sflag:s16] =	ssyncset.done $0x0  }
0x39: {  	s18 =	sadd.s32 $0x2800, s18;
	[sflag:s16] =	ssyncadd.s32 $0xFFFFC180  }
0x3a: {  	[spmem:s2] =	stream.indirect.scatter.add.f32 [tilespmem:s13], [sflag:$0x2], $0x80, s18, s12, $0xb8;
	[tilespmem:$0x1D000] =	vst v63  }
0x3b: {  	_ =	swait.ge [sflag:s10], $0x3E80  }
0x3c: {  	s17 =	sadd.s32 $0x1, s17;
	[sflag:s10] =	ssyncset.done $0x0  }
0x3d: {  	p0 =	sne.s32 s17, s9;
	[sflag:s10] =	ssyncadd.s32 $0xFFFFC180  }
.Ltmp1:
0x3e: {  	[bflag:$0x0] =	sbarrier.arrive $0xFFFF;
	(pc) =	sbr.rel @p0 .LBB2_1-.Ltmp1, $4  }
0x3f: {  	[hbm:s8], [sflag:s14] =	dma.local [spmem:s15], $0x2800  }
0x40: {  	_ =	swait.ge [sflag:s10], $0x2800  }
0x41: {  	[sflag:s10] =	ssyncset.done $0x0  }
0x42: {  	[sflag:s10] =	ssyncadd.s32 $0xFFFFD800  }
0x43: {  	_ =	sfence.sel $0x180000  }
0x44: {  	[bflag:$0x0] =	sbarrier.arrive $0xFFFF  }
0x45: {  	p0 =	sne.s32 s0, $0x0;
	_ =	strace $0x9000004D  }
0x46: {  	s0 =	sadd.s32 @!p0 $0x100000, s1;
	[bflag:$0x2] =	sbarrier.arrive $0xFFFF  }
0x47: {  	[sflag:s0] =	ssyncadd.tile.s32 @!p0 $0x1;
	_ =	shalt  }
.Lfunc_end2:
_tile_overlayer_lowered:
.L_overlay_start_2:
0x48: {  	(tag) =	ssettag $0x2  }
0x49: {  	s0 =	rddreg [dreg:$0x0];
	s2 =	stileid.u32  }
0x4a: {  	s1 =	rddreg [dreg:$0x1];
	p0 =	sne.s32 s2, $0x0  }
0x4b: {  	s3 =	rddreg [dreg:$0x2];
	[bflag:$0x3] =	sbarrier.arrive $0xFFFF;
	s2 =	simm.s32 @!p0 $0x1C02  }
0x4c: {  	[timem:s3], [sflag:s2] =	dma.local @!p0 [hbm:s0], s1  }
0x4d: {  	s0 =	simm.s32 @!p0 $0x2  }
0x4e: {  	_ =	swait.ge @!p0 [sflag:s0], s1  }
0x4f: {  	s1 =	ssub.s32 @!p0 $0x0, s1;
	[sflag:s0] =	ssyncset.done @!p0 $0x0  }
0x50: {  	[sflag:s0] =	ssyncadd.s32 @!p0 s1  }
0x51: {  	[bflag:$0x3] =	sbarrier.arrive $0xFFFF  }
0x52: {  	_ =	shalt  }

// kernel: kernel.9.cloned.1.call-start
scs
__scs_entry_jumppad:
0x0: {  	(pc) =	sbr.rel $0x88, $3  }
0x1: {  	(tag) =	ssettag $0x0;
	lr =	simm.s32 $0x1  }
0x2: {  	[smem:$0x3F9B] =	sst lr;
	_ =	strace $0xD0000000  }
0x3: {  	_ = 	snop  }
0x4: {  	_ = 	snop  }
0x5: {  	_ = 	snop  }
0x6: {  	_ = 	snop  }
0x7: {  	_ = 	snop  }
__scs_overlays_trampoline_lowered:
0x8: {  	[smem:$0x3FAA] =	sst s0  }
0x9: {  	[smem:$0x3FAB] =	sst s1  }
0xa: {  	[smem:$0x3FAC] =	sst s2  }
0xb: {  	[smem:$0x3FAD] =	sst s3  }
0xc: {  	[smem:$0x3FAE] =	sst s4  }
0xd: {  	[smem:$0x3FAF] =	sst s5  }
0xe: {  	[smem:$0x3FB0] =	sst s6  }
0xf: {  	[smem:$0x3FB1] =	sst s7  }
0x10: {  	[smem:$0x3FB2] =	sst s8  }
0x11: {  	[smem:$0x3FB3] =	sst s9;
	s0 =	simm.s32 @!p0 $0x0  }
0x12: {  	s1 =	sld [smem:$0x3F99];
	s0 =	simm.s32 @p0 $0x1  }
0x13: {  	[smem:$0x3FB4] =	sst s0;
	s0 =	simm.s32 @!p1 $0x0  }
0x14: {  	s2 =	sld [smem:$0x3F98];
	s0 =	simm.s32 @p1 $0x1  }
0x15: {  	[smem:$0x3FB5] =	sst s0;
	s0 =	simm.s32 @!p2 $0x0  }
0x16: {  	s3 =	sld [smem:$0x3FDB];
	s0 =	simm.s32 @p2 $0x1  }
0x17: {  	s4 =	simm.s32 $0x1BF5;
	[smem:$0x3FB7] =	sst s0  }
0x18: {  	s0 =	sld [smem:$0x3F9A];
	_ =	swait.ge [sflag:s4], $0x0  }
0x19: {  	s7 =	sld [smem:$0x3F9B]  }
0x1a: {  	s8 =	sadd.s32 $0xFFFFE003, lr  }
0x1b: {  	s9 =	sadd.s32 $0xFFFFFEF7, lr;
	s5 =	simm.s32 $0xFFFFFFFF;
	p2 =	slt.u32 s8, $0xFFFFF086  }
0x1c: {  	p1 =	slt.u32 s9, $0xF7A;
	s5 =	simm.s32 @!p2 $0x0  }
0x1d: {  	s5 =	simm.s32 @p1 $0x1;
	p0 =	seq.s32 s7, s2  }
0x1e: {  	s7 =	smul.u32 @!p0 $0xF7A, s2;
	p2 =	seq.s32 @!p0 s5, $0x0  }
0x1f: {  	s9 =	smul.u32 $0xF7A, s1;
	s8 =	simm.s32 @!p0 $0x1BF5;
	p2 =	por !p2, p0  }
0x20: {  	[sflag:s8] =	ssyncset.s32 @!p0 $0xFFFFF086;
	s6 =	sadd.s32 @!p0 s3, s7;
	s7 =	simm.s32 @!p0 $0x108  }
0x21: {  	s3 =	sadd.s32 s3, s9;
	s6 =	sadd.s32 @!p0 $0x88, s6;
	s7 =	simm.s32 @p2 $0x1082  }
0x22: {  	[simem:s7], [sflag:s8] =	dma.local @!p0 [hbm:s6], $0xF7A  }
0x23: {  	s9 =	sor.u32 $0xD0000000, s2;
	s6 =	simm.s32 $0x108;
	_ =	swait.ge @!p0 [sflag:s8], $0x0  }
0x24: {  	s3 =	sadd.s32 $0x88, s3;
	s6 =	simm.s32 @!p1 $0x1082;
	[sflag:s4] =	ssyncset.s32 $0xFFFFF086  }
0x25: {  	[simem:s6], [sflag:s4] =	dma.local [hbm:s3], $0xF7A  }
0x26: {  	[smem:$0x3F9B] =	sst s1;
	(tag) =	ssettag s2;
	_ =	strace s9  }
0x27: {  	s1 =	sld [smem:$0x3FAB]  }
0x28: {  	s2 =	sld [smem:$0x3FAC]  }
0x29: {  	s4 =	sld [smem:$0x3FAE]  }
0x2a: {  	p0 =	seq.s32 s5, $0x0;
	s5 =	sld [smem:$0x3FAF]  }
0x2b: {  	s6 =	sld [smem:$0x3FB0]  }
0x2c: {  	s7 =	sld [smem:$0x3FB1]  }
0x2d: {  	s3 =	simm.s32 $0x108;
	s8 =	sld [smem:$0x3FB2]  }
0x2e: {  	s3 =	simm.s32 @!p0 $0x1082;
	s9 =	sld [smem:$0x3FB3]  }
0x2f: {  	lr =	sadd.s32 s0, s3;
	s0 =	sld [smem:$0x3FAA]  }
0x30: {  	s3 =	sld [smem:$0x3FAD]  }
0x31: {  	[smem:$0x3FB6] =	sst s10  }
0x32: {  	s10 =	sld [smem:$0x3FB4];
	_ =	sdelay $0x3  }
0x33: {  	p0 =	seq.s32 s10, $0x1;
	s10 =	sld [smem:$0x3FB6];
	_ =	sdelay $0x3  }
0x34: {  	[smem:$0x3FB6] =	sst s10  }
0x35: {  	s10 =	sld [smem:$0x3FB5];
	_ =	sdelay $0x3  }
0x36: {  	p1 =	seq.s32 s10, $0x1;
	s10 =	sld [smem:$0x3FB6];
	_ =	sdelay $0x3  }
0x37: {  	[smem:$0x3FB6] =	sst s10  }
0x38: {  	s10 =	sld [smem:$0x3FB7]  }
0x39: {  	_ = 	snop;
	(pc) =	sbr.ind lr, $3  }
0x3a: {  	_ = 	snop  }
0x3b: {  	_ = 	snop  }
0x3c: {  	p2 =	seq.s32 s10, $0x1;
	s10 =	sld [smem:$0x3FB6]  }
0x3d: {  	_ =	shalt  }
0x3e: {  	_ =	shalt  }
0x3f: {  	_ =	shalt  }
0x40: {  	_ =	shalt  }
0x41: {  	_ =	shalt  }
0x42: {  	_ =	shalt  }
0x43: {  	_ =	shalt  }
0x44: {  	_ =	shalt  }
0x45: {  	_ =	shalt  }
0x46: {  	_ =	shalt  }
0x47: {  	_ =	shalt  }
0x48: {  	_ =	shalt  }
0x49: {  	_ =	shalt  }
0x4a: {  	_ =	shalt  }
0x4b: {  	_ =	shalt  }
0x4c: {  	_ =	shalt  }
0x4d: {  	_ =	shalt  }
0x4e: {  	_ =	shalt  }
0x4f: {  	_ =	shalt  }
0x50: {  	_ =	shalt  }
0x51: {  	_ =	shalt  }
0x52: {  	_ =	shalt  }
0x53: {  	_ =	shalt  }
0x54: {  	_ =	shalt  }
0x55: {  	_ =	shalt  }
0x56: {  	_ =	shalt  }
0x57: {  	_ =	shalt  }
0x58: {  	_ =	shalt  }
0x59: {  	_ =	shalt  }
0x5a: {  	_ =	shalt  }
0x5b: {  	_ =	shalt  }
0x5c: {  	_ =	shalt  }
0x5d: {  	_ =	shalt  }
0x5e: {  	_ =	shalt  }
0x5f: {  	_ =	shalt  }
0x60: {  	_ =	shalt  }
0x61: {  	_ =	shalt  }
0x62: {  	_ =	shalt  }
0x63: {  	_ =	shalt  }
0x64: {  	_ =	shalt  }
0x65: {  	_ =	shalt  }
0x66: {  	_ =	shalt  }
0x67: {  	_ =	shalt  }
0x68: {  	_ =	shalt  }
0x69: {  	_ =	shalt  }
0x6a: {  	_ =	shalt  }
0x6b: {  	_ =	shalt  }
0x6c: {  	_ =	shalt  }
0x6d: {  	_ =	shalt  }
0x6e: {  	_ =	shalt  }
0x6f: {  	_ =	shalt  }
0x70: {  	_ =	shalt  }
0x71: {  	_ =	shalt  }
0x72: {  	_ =	shalt  }
0x73: {  	_ =	shalt  }
0x74: {  	_ =	shalt  }
0x75: {  	_ =	shalt  }
0x76: {  	_ =	shalt  }
0x77: {  	_ =	shalt  }
0x78: {  	_ =	shalt  }
0x79: {  	_ =	shalt  }
0x7a: {  	_ =	shalt  }
0x7b: {  	_ =	shalt  }
0x7c: {  	_ =	shalt  }
0x7d: {  	_ =	shalt  }
0x7e: {  	_ =	shalt  }
0x7f: {  	_ =	shalt  }
0x80: {  	_ =	shalt  }
0x81: {  	_ =	shalt  }
0x82: {  	_ =	shalt  }
0x83: {  	_ =	shalt  }
0x84: {  	_ =	shalt  }
0x85: {  	_ =	shalt  }
0x86: {  	_ =	shalt  }
0x87: {  	_ =	shalt  }
.Lfunc_end0:
.L_simem_size_0:
called_computation_lowered:
.L_overlay_start_0:
0x88: {  	s2 =	sld [smem:$0x3FD9]  }
0x89: {  	s3 =	sld [smem:$0x3FFE];
	_ =	sdelay $0x1  }
0x8a: {  	s1 =	srdreg.scid  }
0x8b: {  	s0 =	sand.u32 $0x1, s1  }
0x8c: {  	s17 =	sshll.u32 s0, $0xA;
	s2 =	sadd.s32 s3, s2  }
0x8d: {  	s2 =	sadd.s32 s2, s17  }
0x8e: {  	[smem:$0x3FC2] =	sst s2  }
0x8f: {  	_ = 	snop  }
0x90: {  	s2 =	sld [smem:$0x3FD0];
	(tm) =	ssettm $0x1  }
0x91: {  	s18 =	sld [smem:$0x3FFB];
	_ =	sdelay $0x3  }
0x92: {  	_ =	strace s18  }
0x93: {  	s3 =	sld [smem:$0x3FFC];
	_ =	sdelay $0x3  }
0x94: {  	_ =	strace s3  }
0x95: {  	s3 =	sld [smem:$0x3FFD];
	_ =	sdelay $0x3  }
0x96: {  	_ =	strace s3  }
0x97: {  	_ =	strace $0x8FFFFFFF  }
0x98: {  	s19 =	sld [smem:$0x3FDB];
	_ =	sdelay $0x1  }
0x99: {  	s4 =	simm.s32 $_scs_section_size  }
0x9a: {  	s5 =	simm.s32 $_size__tile_overlayer_lowered;
	s6 =	simm.s32 $_tile_overlayer_lowered  }
0x9b: {  	s22 =	simm.s32 $0x1BFF;
	s21 =	sshll.u32 s6, $0x1;
	s3 =	sadd.s32 s4, s19  }
0x9c: {  	s7 =	simm.s32 $0x0;
	s20 =	sshll.u32 s5, $0x1;
	s5 =	sadd.s32 s21, s3  }
0x9d: {  	[timem:s7], [sflag:s22] =	dma.local [hbm:s5], s20  }
0x9e: {  	_ =	swait.ge [sflag:s22], s20  }
0x9f: {  	s4 =	ssub.s32 $0x0, s20;
	[sflag:s22] =	ssyncset.done $0x0  }
0xa0: {  	[sflag:s22] =	ssyncadd.s32 s4;
	_ =	sdelay $0x1  }
0xa1: {  	s23 =	simm.s32 $0x1B8B  }
0xa2: {  	_ =	swait.ge [sflag:s23], $0x1  }
0xa3: {  	[sflag:s23] =	ssyncset.done $0x0  }
0xa4: {  	s25 =	simm.s32 $0x1B8E;
	s24 =	sld [smem:$0x3FFE];
	[sflag:s23] =	ssyncadd.s32 $0xFFFFFFFF  }
0xa5: {  	s26 =	simm.s32 $execute0_lowered;
	[smem:$0x3FD2] =	sst s25  }
0xa6: {  	s5 =	sshll.u32 s26, $0x1;
	_ =	strace $0x80000046;
	[dreg:$0x1] =	wrdreg $0xFFFFFFFF  }
0xa7: {  	s28 =	simm.s32 $_size_execute0_lowered;
	s3 =	sadd.s32 s3, s5;
	[dreg:$0x0] =	wrdreg $0x0  }
0xa8: {  	s5 =	sshll.u32 s28, $0x1;
	[dreg:$0x2] =	wrdreg s3  }
0xa9: {  	[dreg:$0x3] =	wrdreg s5  }
0xaa: {  	[dreg:$0x4] =	wrdreg $0xC0  }
0xab: {  	_ =	task [dreg:s7], $0x5FFFF  }
0xac: {  	[dreg:$0x1] =	wrdreg $0xFFFFFFFF  }
0xad: {  	[dreg:$0x0] =	wrdreg $0x60  }
0xae: {  	[dreg:$0x2] =	wrdreg s2  }
0xaf: {  	[dreg:$0x3] =	wrdreg s24  }
0xb0: {  	[dreg:$0x4] =	wrdreg $0x68000  }
0xb1: {  	[dreg:$0x5] =	wrdreg $0x9  }
0xb2: {  	_ =	task.clear_ibuf [dreg:s7], $0x6FFFF;
	_ =	strace $0x90000046  }
0xb3: {  	s29 =	simm.s32 $0x9;
	_ =	strace $0x80000048  }
0xb4: {  	_ =	swait.ge [sflag:s29], $0x1  }
0xb5: {  	[sflag:s29] =	ssyncadd.s32 $0xFFFFFFFF  }
0xb6: {  	_ =	strace $0x90000048  }
0xb7: {  	_ =	sfence  }
0xb8: {  	s30 =	sld [smem:$0x0];
	_ =	sdelay $0x2  }
0xb9: {  	s31 =	sshll.u32 s1, $0xD;
	s1 =	sshrl.u32 s1, $0x2  }
0xba: {  	s3 =	sand.u32 $0x4000, s31;
	s1 =	sadd.s32 s1, s30  }
0xbb: {  	s0 =	sor.u32 s3, s0;
	s1 =	sshll.u32 s1, $0x11  }
0xbc: {  	s0 =	sor.u32 s1, s0  }
0xbd: {  	s0 =	sadd.s32 $0x8F2B, s0  }
0xbe: {  	[sflag:s0] =	ssyncadd.remote.s32 $0x1  }
0xbf: {  	_ =	sfence.sel $0xFFFF  }
0xc0: {  	[dreg:$0x0] =	wrdreg $0xFFFFFFFF;
	(pc) =	sbr.abs _section_cstart, $3  }
0xc1: {  	[dreg:$0x1] =	wrdreg $0xFFFFFFFF  }
0xc2: {  	_ =	task.clear_ibuf [dreg:s7], $0x2FFFF;
	_ =	strace $0x9FFFFFFF  }
0xc3: {  	(tm) =	ssettm $0x7FFFFFFF  }
tec
execute0_lowered:
.L_overlay_start_1:
0x0: {  	(tag) =	ssettag $0x1  }
0x1: {  	s6 =	rddreg [dreg:$0x0]  }
0x2: {  	s4 =	rddreg [dreg:$0x1]  }
0x3: {  	s2 =	rddreg [dreg:$0x2]  }
0x4: {  	s0 =	rddreg [dreg:$0x3]  }
0x5: {  	s1 =	stileid.u32;
	s5 =	srdreg.scid;
	s3 =	simm.s32 $0x0  }
0x6: {  	s13 =	simm.s32 $0x2800;
	s15 =	simm.s32 $0x0;
	s7 =	smul.u32 $0x2800, s1  }
0x7: {  	s5 =	sand.u32 $0x1, s5;
	[smem:$0x7FF] =	sst s3;
	s28 =	smul.u32 $0x50000, s1  }
0x8: {  	s14 =	sshll.u32 s1, $0x6;
	s8 =	smul.u32 $0x28000, s5;
	_ =	strace $0x80000047  }
0x9: {  	s10 =	sshll.u32 s5, $0x4;
	s29 =	ssub.s32 $0x2, s5;
	s5 =	sor.u32 $0x1C01, s14  }
0xa: {  	s14 =	sor.u32 $0x1C02, s14;
	s9 =	sadd.s32 s7, s4;
	s30 =	sor.u32 s1, s10  }
0xb: {  	s31 =	sshrl.u32 s29, $0x1;
	s7 =	sadd.s32 s7, s8;
	s8 =	sshrl.u32 s28, $0x2  }
0xc: {  	s11 =	smul.u32 $0x500, s30;
	s10 =	ssub.s32 s29, s31;
	s7 =	sadd.s32 s7, s4  }
0xd: {  	s12 =	sadd.s32 s8, s2;
	s4 =	sadd.s32 $0x1C00, s9;
	s8 =	smax.u32 s10, $0x1  }
0xe: {  	s10 =	simm.s32 $0x2;
	s6 =	sadd.s32 s6, s11;
	s7 =	sadd.s32 $0x29C00, s7  }
0xf: {  	v0 =	vimm.f32 $1.000000000e+00;
	s9 =	sshrl.u32 s12, $0x3;
	s11 =	simm.s32 $0x1;
	s12 =	simm.s32 $0x7D  }
.LBB2_1:
0x10: {  	[spmem:s9], [sflag:s5] =	dma.local [hbm:s4], $0x2800  }
0x11: {  	[tilespmem:s3], [sflag:$0x2] =	stream.linear.gather [hbm4b:s6+s3], $0x2800, $0x38;
	[tilespmem:$0x1A800] =	vst v63  }
0x12: {  	_ =	swait.ge [sflag:s10], $0x2800  }
0x13: {  	[sflag:s10] =	ssyncset.done $0x0  }
0x14: {  	s16 =	simm.s32 $0x0;
	s17 =	simm.s32 $0x200;
	[sflag:s10] =	ssyncadd.s32 $0xFFFFD800  }
.LBB2_2:
0x15: {  	p0 =	sne.s32 s17, $0xF800;
	[tilespmem:s16+$0x2870] =	vst v0  }
0x16: {  	[tilespmem:s16+$0x2800] =	vst v0  }
0x17: {  	[tilespmem:s16+$0x2810] =	vst v0  }
.Ltmp0:
0x18: {  	[tilespmem:s16+$0x2820] =	vst v0;
	(pc) =	sbr.rel @p0 .LBB2_2-.Ltmp0, $4  }
0x19: {  	[tilespmem:s16+$0x2830] =	vst v0  }
0x1a: {  	[tilespmem:s16+$0x2840] =	vst v0  }
0x1b: {  	[tilespmem:s16+$0x2850] =	vst v0  }
0x1c: {  	[tilespmem:s16+$0x2860] =	vst v0;
	s16 =	sshra.s32 s17, $0x2;
	s17 =	sadd.s32 $0x200, s17  }
0x1d: {  	[tilespmem:s16+$0x2870] =	vst v0  }
0x1e: {  	[tilespmem:s16+$0x2800] =	vst v0  }
0x1f: {  	[tilespmem:s16+$0x2810] =	vst v0  }
0x20: {  	[tilespmem:s16+$0x2820] =	vst v0  }
0x21: {  	[tilespmem:s16+$0x2830] =	vst v0  }
0x22: {  	[tilespmem:s16+$0x2840] =	vst v0  }
0x23: {  	[tilespmem:s16+$0x2850] =	vst v0  }
0x24: {  	[tilespmem:s16+$0x2860] =	vst v0  }
0x25: {  	_ =	swait.ge [sflag:s11], $0x2800  }
0x26: {  	[sflag:s11] =	ssyncset.done $0x0  }
0x27: {  	[sflag:s11] =	ssyncadd.s32 $0xFFFFD800  }
0x28: {  	s31 =	simm.s32 $0x0;
	[bflag:$0x0] =	sbarrier.arrive $0xFFFF  }
0x29: {  	[spmem:s2] =	stream.indirect.scatter.add.f32 [tilespmem:s13], [sflag:$0x2], $0x80, s31, s12, $0xb8;
	[tilespmem:$0x1A800] =	vst v63  }
0x2a: {  	_ =	swait.ge [sflag:s10], $0x3E80  }
0x2b: {  	s16 =	simm.s32 $0x200;
	[sflag:s10] =	ssyncset.done $0x0  }
.LBB2_4:
0x2c: {  	s17 =	sshra.s32 s16, $0x2;
	[sflag:s10] =	ssyncadd.s32 $0xFFFFC180;
	p0 =	sne.s32 s16, $0x9E00  }
0x2d: {  	[spmem:s2] =	stream.indirect.scatter.add.f32 [tilespmem:s13], [sflag:$0x2], $0x80, s17, s12, $0xb8;
	[tilespmem:$0x1A800] =	vst v63  }
.Ltmp1:
0x2e: {  	_ = 	snop;
	(pc) =	sbr.rel @p0 .LBB2_4-.Ltmp1, $4  }
0x2f: {  	_ = 	snop  }
0x30: {  	s16 =	sadd.s32 $0x200, s16  }
0x31: {  	_ =	swait.ge [sflag:s10], $0x3E80  }
0x32: {  	[sflag:s10] =	ssyncset.done $0x0  }
0x33: {  	s15 =	sadd.s32 $0x1, s15  }
0x34: {  	[sflag:s10] =	ssyncadd.s32 $0xFFFFC180;
	p0 =	sne.s32 s15, s8  }
.Ltmp2:
0x35: {  	[bflag:$0x0] =	sbarrier.arrive $0xFFFF;
	(pc) =	sbr.rel @p0 .LBB2_1-.Ltmp2, $4  }
0x36: {  	[hbm:s7], [sflag:s14] =	dma.local [spmem:s9], $0x2800  }
0x37: {  	_ =	swait.ge [sflag:s10], $0x2800  }
0x38: {  	[sflag:s10] =	ssyncset.done $0x0  }
0x39: {  	[sflag:s10] =	ssyncadd.s32 $0xFFFFD800  }
0x3a: {  	_ =	sfence.sel $0x180000  }
0x3b: {  	[bflag:$0x0] =	sbarrier.arrive $0xFFFF  }
0x3c: {  	p0 =	sne.s32 s1, $0x0;
	_ =	strace $0x90000047  }
0x3d: {  	s0 =	sadd.s32 @!p0 $0x100000, s0;
	[bflag:$0x2] =	sbarrier.arrive $0xFFFF  }
0x3e: {  	[sflag:s0] =	ssyncadd.tile.s32 @!p0 $0x1;
	_ =	shalt  }
.Lfunc_end2:
_tile_overlayer_lowered:
.L_overlay_start_2:
0x3f: {  	(tag) =	ssettag $0x2  }
0x40: {  	s0 =	rddreg [dreg:$0x0];
	s2 =	stileid.u32  }
0x41: {  	s1 =	rddreg [dreg:$0x1];
	p0 =	sne.s32 s2, $0x0  }
0x42: {  	s3 =	rddreg [dreg:$0x2];
	[bflag:$0x3] =	sbarrier.arrive $0xFFFF;
	s2 =	simm.s32 @!p0 $0x1C02  }
0x43: {  	[timem:s3], [sflag:s2] =	dma.local @!p0 [hbm:s0], s1  }
0x44: {  	s0 =	simm.s32 @!p0 $0x2  }
0x45: {  	_ =	swait.ge @!p0 [sflag:s0], s1  }
0x46: {  	s1 =	ssub.s32 @!p0 $0x0, s1;
	[sflag:s0] =	ssyncset.done @!p0 $0x0  }
0x47: {  	[sflag:s0] =	ssyncadd.s32 @!p0 s1  }
0x48: {  	[bflag:$0x3] =	sbarrier.arrive $0xFFFF  }
0x49: {  	_ =	shalt  }

</sc_bundles>
